<compile_context>
chip_gen: v7x
topology: tpu7x:2x2x1
jax: 0.10.2.dev20260603
libtpu: 0.0.44.dev20260713+nightly
codegen_flags: <defaults>
</compile_context>

<pallas_src>
import functools

import jax
import jax.numpy as jnp
from jax import lax
from jax.experimental import pallas as pl
from jax.experimental.pallas import tpu as pltpu
from jax.experimental.pallas import tpu_sc as plsc

B, L = 4096, 50
N = B * L
T = 10
D = 16
NC, NS = 2, 16
NW = NC * NS
PER_W = N // NW
TOK = 128
NBLK = PER_W // TOK
NPAIR = NBLK // 2


def _body(i0, i1, i2, i3, i4, i5, i6, i7, i8, i9,
          t0, t1, t2, t3, t4, t5, t6, t7, t8, t9,
          out_hbm, idx_v, buf_a, buf_b, gsem_a, gsem_b, wsem_a, wsem_b):
    idx_hbms = [i0, i1, i2, i3, i4, i5, i6, i7, i8, i9]
    tables = [t0, t1, t2, t3, t4, t5, t6, t7, t8, t9]
    wid = lax.axis_index("s") * NC + lax.axis_index("c")
    base = pl.multiple_of(wid * PER_W, 8)

    for t in range(T):
        pltpu.sync_copy(idx_hbms[t].at[pl.ds(base, PER_W)], idx_v.at[t])

    def drain(sem):
        pltpu.make_async_copy(t0.at[pl.ds(0, T * TOK)], buf_a, sem).wait()

    def fire_gathers(blk, buf, gsem):
        for t in range(T):
            pltpu.async_copy(
                tables[t].at[idx_v.at[t, pl.ds(blk * TOK, TOK)]],
                buf.at[pl.ds(t * TOK, TOK)], gsem)

    def write_block(blk, buf, wsem):
        row0 = pl.multiple_of(wid * PER_W + blk * TOK, 8)
        for t in range(T):
            pltpu.async_copy(buf.at[pl.ds(t * TOK, TOK)],
                             out_hbm.at[pl.ds(row0, TOK), t], wsem)

    def pair_body(m, carry):
        blk = 2 * m

        @pl.when(m > 0)
        def _():
            drain(wsem_a)
        fire_gathers(blk, buf_a, gsem_a)

        @pl.when(m > 0)
        def _():
            drain(wsem_b)
        fire_gathers(blk + 1, buf_b, gsem_b)

        drain(gsem_a)
        write_block(blk, buf_a, wsem_a)
        drain(gsem_b)
        write_block(blk + 1, buf_b, wsem_b)
        return carry

    lax.fori_loop(0, NPAIR, pair_body, 0)
    drain(wsem_a)
    drain(wsem_b)


_embed = functools.partial(
    pl.kernel,
    mesh=plsc.VectorSubcoreMesh(core_axis_name="c", subcore_axis_name="s"),
    out_type=jax.ShapeDtypeStruct((N, T, D), jnp.float32),
    scratch_types=[
        pltpu.VMEM((T, PER_W), jnp.int32),
        pltpu.VMEM((T * TOK, D), jnp.float32),
        pltpu.VMEM((T * TOK, D), jnp.float32),
        pltpu.SemaphoreType.DMA,
        pltpu.SemaphoreType.DMA,
        pltpu.SemaphoreType.DMA,
        pltpu.SemaphoreType.DMA,
    ],
    compiler_params=pltpu.CompilerParams(use_tc_tiling_on_sc=False),
)(_body)


def kernel(input_ids, token_types, n_lower, n_upper, n_alpha, n_spaces,
           n_numeric, n_special, rx_ids, ry_ids, W_we, W_lower, W_upper,
           W_alpha, W_spaces, W_numeric, W_special, W_ttypes, W_rx, W_ry):
    idxs = [input_ids, n_lower, n_upper, n_alpha, n_spaces, n_numeric,
            n_special, token_types, rx_ids, ry_ids]
    tables = [W_we, W_lower, W_upper, W_alpha, W_spaces, W_numeric,
              W_special, W_ttypes, W_rx, W_ry]
    flat = [a.reshape(-1).astype(jnp.int32) for a in idxs]
    out = _embed(*flat, *tables)
    return out.reshape(B, L, T * D)

# --- scband reference (transcript-rebuilt; emitter-appended) ---
"""Pipeline reference for scband-node-embedding-48747878810313 (READ-ONLY COPY).

The authoritative reference and input builder live on the scoring server;
editing this copy changes nothing except your own understanding.
"""

import jax, jax.numpy as jnp
import numpy as np

B, L = 4096, 50
VOCAB, U_TEXT, U_DIST, D = 1000000, 512, 512, 16


def setup_inputs(seed: int = 0) -> dict:
    key = jax.random.key(seed)
    ks = jax.random.split(key, 24)
    inp = {}
    inp["input_ids"] = jax.random.randint(ks[0], (B, L), 0, VOCAB)
    inp["token_types"] = jax.random.randint(ks[1], (B, L), 0, 4)
    inp["n_lower"] = jax.random.randint(ks[2], (B, L), 0, U_TEXT)
    inp["n_upper"] = jax.random.randint(ks[3], (B, L), 0, U_TEXT)
    inp["n_alpha"] = jax.random.randint(ks[4], (B, L), 0, U_TEXT)
    inp["n_spaces"] = jax.random.randint(ks[5], (B, L), 0, U_TEXT)
    inp["n_numeric"] = jax.random.randint(ks[6], (B, L), 0, U_TEXT)
    inp["n_special"] = jax.random.randint(ks[7], (B, L), 0, U_TEXT)
    inp["rx_ids"] = jax.random.randint(ks[8], (B, L), 0, U_DIST)
    inp["ry_ids"] = jax.random.randint(ks[9], (B, L), 0, U_DIST)
    inp["W_we"] = jax.random.normal(ks[10], (VOCAB, D), jnp.float32) * 0.02
    inp["W_lower"] = jax.random.normal(ks[11], (U_TEXT, D), jnp.float32) * 0.02
    inp["W_upper"] = jax.random.normal(ks[12], (U_TEXT, D), jnp.float32) * 0.02
    inp["W_alpha"] = jax.random.normal(ks[13], (U_TEXT, D), jnp.float32) * 0.02
    inp["W_spaces"] = jax.random.normal(ks[14], (U_TEXT, D), jnp.float32) * 0.02
    inp["W_numeric"] = jax.random.normal(ks[15], (U_TEXT, D), jnp.float32) * 0.02
    inp["W_special"] = jax.random.normal(ks[16], (U_TEXT, D), jnp.float32) * 0.02
    inp["W_ttypes"] = jax.random.normal(ks[17], (4, D), jnp.float32) * 0.02
    inp["W_rx"] = jax.random.normal(ks[18], (U_DIST, D), jnp.float32) * 0.02
    inp["W_ry"] = jax.random.normal(ks[19], (U_DIST, D), jnp.float32) * 0.02
    return inp


def reference(input_ids, token_types, n_lower, n_upper, n_alpha, n_spaces, n_numeric, n_special, rx_ids, ry_ids, W_we, W_lower, W_upper, W_alpha, W_spaces, W_numeric, W_special, W_ttypes, W_rx, W_ry):
    u_text_m1 = U_TEXT - 1
    u_dist_m1 = U_DIST - 1
    we = jnp.take(W_we, input_ids, axis=0)
    e_lower = jnp.take(W_lower, jnp.clip(n_lower, 0, u_text_m1), axis=0)
    e_upper = jnp.take(W_upper, jnp.clip(n_upper, 0, u_text_m1), axis=0)
    e_alpha = jnp.take(W_alpha, jnp.clip(n_alpha, 0, u_text_m1), axis=0)
    e_spaces = jnp.take(W_spaces, jnp.clip(n_spaces, 0, u_text_m1), axis=0)
    e_numeric = jnp.take(W_numeric, jnp.clip(n_numeric, 0, u_text_m1), axis=0)
    e_special = jnp.take(W_special, jnp.clip(n_special, 0, u_text_m1), axis=0)
    tt = jnp.take(W_ttypes, token_types, axis=0)
    rx = jnp.take(W_rx, jnp.clip(rx_ids, 0, u_dist_m1), axis=0)
    ry = jnp.take(W_ry, jnp.clip(ry_ids, 0, u_dist_m1), axis=0)
    return jnp.concatenate([we, e_lower, e_upper, e_alpha, e_spaces, e_numeric, e_special, tt, rx, ry], axis=-1)

if __name__ == "__main__":
    import jax
    _d = setup_inputs()
    print(jax.jit(kernel)(*tuple(_d.values())))

</pallas_src>

<mosaic_0001>
#map = affine_map<(d0, d1) -> (0)>
#map1 = affine_map<(d0, d1) -> (0, 0)>
#map2 = affine_map<(d0, d1) -> (0, 0, 0)>
module attributes {stable_mosaic.version = 14 : i64} {
  func.func @_body(%arg0: i32, %arg1: i32, %arg2: memref<204800xi32, #tpu.memory_space<hbm>>, %arg3: memref<204800xi32, #tpu.memory_space<hbm>>, %arg4: memref<204800xi32, #tpu.memory_space<hbm>>, %arg5: memref<204800xi32, #tpu.memory_space<hbm>>, %arg6: memref<204800xi32, #tpu.memory_space<hbm>>, %arg7: memref<204800xi32, #tpu.memory_space<hbm>>, %arg8: memref<204800xi32, #tpu.memory_space<hbm>>, %arg9: memref<204800xi32, #tpu.memory_space<hbm>>, %arg10: memref<204800xi32, #tpu.memory_space<hbm>>, %arg11: memref<204800xi32, #tpu.memory_space<hbm>>, %arg12: memref<1000000x16xf32, #tpu.memory_space<hbm>>, %arg13: memref<512x16xf32, #tpu.memory_space<hbm>>, %arg14: memref<512x16xf32, #tpu.memory_space<hbm>>, %arg15: memref<512x16xf32, #tpu.memory_space<hbm>>, %arg16: memref<512x16xf32, #tpu.memory_space<hbm>>, %arg17: memref<512x16xf32, #tpu.memory_space<hbm>>, %arg18: memref<512x16xf32, #tpu.memory_space<hbm>>, %arg19: memref<4x16xf32, #tpu.memory_space<hbm>>, %arg20: memref<512x16xf32, #tpu.memory_space<hbm>>, %arg21: memref<512x16xf32, #tpu.memory_space<hbm>>, %arg22: memref<204800x10x16xf32, #tpu.memory_space<hbm>>, %arg23: memref<10x6400xi32, #tpu.memory_space<vmem>>, %arg24: memref<1280x16xf32, #tpu.memory_space<vmem>>, %arg25: memref<1280x16xf32, #tpu.memory_space<vmem>>, %arg26: memref<!tpu.dma_semaphore, #tpu.memory_space<semaphore_mem>>, %arg27: memref<!tpu.dma_semaphore, #tpu.memory_space<semaphore_mem>>, %arg28: memref<!tpu.dma_semaphore, #tpu.memory_space<semaphore_mem>>, %arg29: memref<!tpu.dma_semaphore, #tpu.memory_space<semaphore_mem>>) attributes {dimension_semantics = [#tpu.dimension_semantics<core_parallel>, #tpu.dimension_semantics<subcore_parallel>], iteration_bounds = array<i64: 2, 16>, scalar_prefetch = 0 : i64, scratch_operands = 7 : i64, tpu.core_type = #tpu.core_type<sc_vector_subcore>, window_params = [{transform_indices = #map}, {transform_indices = #map}, {transform_indices = #map}, {transform_indices = #map}, {transform_indices = #map}, {transform_indices = #map}, {transform_indices = #map}, {transform_indices = #map}, {transform_indices = #map}, {transform_indices = #map}, {transform_indices = #map1}, {transform_indices = #map1}, {transform_indices = #map1}, {transform_indices = #map1}, {transform_indices = #map1}, {transform_indices = #map1}, {transform_indices = #map1}, {transform_indices = #map1}, {transform_indices = #map1}, {transform_indices = #map1}, {transform_indices = #map2}]} {
    %mul3A = arith.constant 2 : i32
    %mul3A_0 = arith.muli %arg1, %mul3A : i32
    %add3A = arith.addi %mul3A_0, %arg0 : i32
    %mul3A_1 = arith.constant 6400 : i32
    %mul3A_2 = arith.muli %add3A, %mul3A_1 : i32
    %multiple_of3A = tpu.assume_multiple %mul3A_2, 8 : i32
    %run_scoped3A = arith.constant 0 : i32
    "tpu.region"() ({
      %run_scoped3A_28 = tpu.sem_alloc : memref<!tpu.dma_semaphore, #tpu.memory_space<semaphore_mem>>
      %dma_start3A = arith.constant 0 : i32
      %dma_start3A_29 = tpu.memref_slice %arg23[%run_scoped3A, %dma_start3A] : memref<10x6400xi32, #tpu.memory_space<vmem>> -> memref<1x6400xi32, #tpu.memory_space<vmem>>
      %dma_start3A_30 = tpu.memref_squeeze %dma_start3A_29 : memref<1x6400xi32, #tpu.memory_space<vmem>> -> memref<6400xi32, #tpu.memory_space<vmem>>
      %dma_start3A_31 = tpu.memref_slice %arg2[%multiple_of3A] : memref<204800xi32, #tpu.memory_space<hbm>> -> memref<6400xi32, #tpu.memory_space<hbm>>
      %dma_start3A_32 = arith.constant 0 : i32
      %dma_start3A_33 = tpu.memref_slice %arg23[%run_scoped3A, %dma_start3A_32] : memref<10x6400xi32, #tpu.memory_space<vmem>> -> memref<1x6400xi32, #tpu.memory_space<vmem>>
      %dma_start3A_34 = tpu.memref_squeeze %dma_start3A_33 : memref<1x6400xi32, #tpu.memory_space<vmem>> -> memref<6400xi32, #tpu.memory_space<vmem>>
      %dma_start3A_35 = tpu.memref_slice %arg2[%multiple_of3A] : memref<204800xi32, #tpu.memory_space<hbm>> -> memref<6400xi32, #tpu.memory_space<hbm>>
      tpu.enqueue_dma source(%dma_start3A_35 : memref<6400xi32, #tpu.memory_space<hbm>>) target(%dma_start3A_34 : memref<6400xi32, #tpu.memory_space<vmem>>) target_semaphore(%run_scoped3A_28 : memref<!tpu.dma_semaphore, #tpu.memory_space<semaphore_mem>>)
      %dma_wait3A_36 = arith.constant 0 : i32
      %dma_wait3A_37 = tpu.memref_slice %arg23[%run_scoped3A, %dma_wait3A_36] : memref<10x6400xi32, #tpu.memory_space<vmem>> -> memref<1x6400xi32, #tpu.memory_space<vmem>>
      %dma_wait3A_38 = tpu.memref_squeeze %dma_wait3A_37 : memref<1x6400xi32, #tpu.memory_space<vmem>> -> memref<6400xi32, #tpu.memory_space<vmem>>
      %dma_wait3A_39 = tpu.memref_slice %arg2[%multiple_of3A] : memref<204800xi32, #tpu.memory_space<hbm>> -> memref<6400xi32, #tpu.memory_space<hbm>>
      %dma_wait3A_40 = arith.constant 0 : i32
      %dma_wait3A_41 = tpu.memref_slice %arg23[%run_scoped3A, %dma_wait3A_40] : memref<10x6400xi32, #tpu.memory_space<vmem>> -> memref<1x6400xi32, #tpu.memory_space<vmem>>
      %dma_wait3A_42 = tpu.memref_squeeze %dma_wait3A_41 : memref<1x6400xi32, #tpu.memory_space<vmem>> -> memref<6400xi32, #tpu.memory_space<vmem>>
      %dma_wait3A_43 = tpu.memref_slice %arg2[%multiple_of3A] : memref<204800xi32, #tpu.memory_space<hbm>> -> memref<6400xi32, #tpu.memory_space<hbm>>
      tpu.wait_dma2 semaphore(%run_scoped3A_28 : memref<!tpu.dma_semaphore, #tpu.memory_space<semaphore_mem>>) src(%dma_wait3A_43 : memref<6400xi32, #tpu.memory_space<hbm>>) dst(%dma_wait3A_42 : memref<6400xi32, #tpu.memory_space<vmem>>)
      tpu.yield
    }) : () -> ()
    %run_scoped3A_3 = arith.constant 1 : i32
    "tpu.region"() ({
      %run_scoped3A_28 = tpu.sem_alloc : memref<!tpu.dma_semaphore, #tpu.memory_space<semaphore_mem>>
      %dma_start3A = arith.constant 0 : i32
      %dma_start3A_29 = tpu.memref_slice %arg23[%run_scoped3A_3, %dma_start3A] : memref<10x6400xi32, #tpu.memory_space<vmem>> -> memref<1x6400xi32, #tpu.memory_space<vmem>>
      %dma_start3A_30 = tpu.memref_squeeze %dma_start3A_29 : memref<1x6400xi32, #tpu.memory_space<vmem>> -> memref<6400xi32, #tpu.memory_space<vmem>>
      %dma_start3A_31 = tpu.memref_slice %arg3[%multiple_of3A] : memref<204800xi32, #tpu.memory_space<hbm>> -> memref<6400xi32, #tpu.memory_space<hbm>>
      %dma_start3A_32 = arith.constant 0 : i32
      %dma_start3A_33 = tpu.memref_slice %arg23[%run_scoped3A_3, %dma_start3A_32] : memref<10x6400xi32, #tpu.memory_space<vmem>> -> memref<1x6400xi32, #tpu.memory_space<vmem>>
      %dma_start3A_34 = tpu.memref_squeeze %dma_start3A_33 : memref<1x6400xi32, #tpu.memory_space<vmem>> -> memref<6400xi32, #tpu.memory_space<vmem>>
      %dma_start3A_35 = tpu.memref_slice %arg3[%multiple_of3A] : memref<204800xi32, #tpu.memory_space<hbm>> -> memref<6400xi32, #tpu.memory_space<hbm>>
      tpu.enqueue_dma source(%dma_start3A_35 : memref<6400xi32, #tpu.memory_space<hbm>>) target(%dma_start3A_34 : memref<6400xi32, #tpu.memory_space<vmem>>) target_semaphore(%run_scoped3A_28 : memref<!tpu.dma_semaphore, #tpu.memory_space<semaphore_mem>>)
      %dma_wait3A_36 = arith.constant 0 : i32
      %dma_wait3A_37 = tpu.memref_slice %arg23[%run_scoped3A_3, %dma_wait3A_36] : memref<10x6400xi32, #tpu.memory_space<vmem>> -> memref<1x6400xi32, #tpu.memory_space<vmem>>
      %dma_wait3A_38 = tpu.memref_squeeze %dma_wait3A_37 : memref<1x6400xi32, #tpu.memory_space<vmem>> -> memref<6400xi32, #tpu.memory_space<vmem>>
      %dma_wait3A_39 = tpu.memref_slice %arg3[%multiple_of3A] : memref<204800xi32, #tpu.memory_space<hbm>> -> memref<6400xi32, #tpu.memory_space<hbm>>
      %dma_wait3A_40 = arith.constant 0 : i32
      %dma_wait3A_41 = tpu.memref_slice %arg23[%run_scoped3A_3, %dma_wait3A_40] : memref<10x6400xi32, #tpu.memory_space<vmem>> -> memref<1x6400xi32, #tpu.memory_space<vmem>>
      %dma_wait3A_42 = tpu.memref_squeeze %dma_wait3A_41 : memref<1x6400xi32, #tpu.memory_space<vmem>> -> memref<6400xi32, #tpu.memory_space<vmem>>
      %dma_wait3A_43 = tpu.memref_slice %arg3[%multiple_of3A] : memref<204800xi32, #tpu.memory_space<hbm>> -> memref<6400xi32, #tpu.memory_space<hbm>>
      tpu.wait_dma2 semaphore(%run_scoped3A_28 : memref<!tpu.dma_semaphore, #tpu.memory_space<semaphore_mem>>) src(%dma_wait3A_43 : memref<6400xi32, #tpu.memory_space<hbm>>) dst(%dma_wait3A_42 : memref<6400xi32, #tpu.memory_space<vmem>>)
      tpu.yield
    }) : () -> ()
    %run_scoped3A_4 = arith.constant 2 : i32
    "tpu.region"() ({
      %run_scoped3A_28 = tpu.sem_alloc : memref<!tpu.dma_semaphore, #tpu.memory_space<semaphore_mem>>
      %dma_start3A = arith.constant 0 : i32
      %dma_start3A_29 = tpu.memref_slice %arg23[%run_scoped3A_4, %dma_start3A] : memref<10x6400xi32, #tpu.memory_space<vmem>> -> memref<1x6400xi32, #tpu.memory_space<vmem>>
      %dma_start3A_30 = tpu.memref_squeeze %dma_start3A_29 : memref<1x6400xi32, #tpu.memory_space<vmem>> -> memref<6400xi32, #tpu.memory_space<vmem>>
      %dma_start3A_31 = tpu.memref_slice %arg4[%multiple_of3A] : memref<204800xi32, #tpu.memory_space<hbm>> -> memref<6400xi32, #tpu.memory_space<hbm>>
      %dma_start3A_32 = arith.constant 0 : i32
      %dma_start3A_33 = tpu.memref_slice %arg23[%run_scoped3A_4, %dma_start3A_32] : memref<10x6400xi32, #tpu.memory_space<vmem>> -> memref<1x6400xi32, #tpu.memory_space<vmem>>
      %dma_start3A_34 = tpu.memref_squeeze %dma_start3A_33 : memref<1x6400xi32, #tpu.memory_space<vmem>> -> memref<6400xi32, #tpu.memory_space<vmem>>
      %dma_start3A_35 = tpu.memref_slice %arg4[%multiple_of3A] : memref<204800xi32, #tpu.memory_space<hbm>> -> memref<6400xi32, #tpu.memory_space<hbm>>
      tpu.enqueue_dma source(%dma_start3A_35 : memref<6400xi32, #tpu.memory_space<hbm>>) target(%dma_start3A_34 : memref<6400xi32, #tpu.memory_space<vmem>>) target_semaphore(%run_scoped3A_28 : memref<!tpu.dma_semaphore, #tpu.memory_space<semaphore_mem>>)
      %dma_wait3A_36 = arith.constant 0 : i32
      %dma_wait3A_37 = tpu.memref_slice %arg23[%run_scoped3A_4, %dma_wait3A_36] : memref<10x6400xi32, #tpu.memory_space<vmem>> -> memref<1x6400xi32, #tpu.memory_space<vmem>>
      %dma_wait3A_38 = tpu.memref_squeeze %dma_wait3A_37 : memref<1x6400xi32, #tpu.memory_space<vmem>> -> memref<6400xi32, #tpu.memory_space<vmem>>
      %dma_wait3A_39 = tpu.memref_slice %arg4[%multiple_of3A] : memref<204800xi32, #tpu.memory_space<hbm>> -> memref<6400xi32, #tpu.memory_space<hbm>>
      %dma_wait3A_40 = arith.constant 0 : i32
      %dma_wait3A_41 = tpu.memref_slice %arg23[%run_scoped3A_4, %dma_wait3A_40] : memref<10x6400xi32, #tpu.memory_space<vmem>> -> memref<1x6400xi32, #tpu.memory_space<vmem>>
      %dma_wait3A_42 = tpu.memref_squeeze %dma_wait3A_41 : memref<1x6400xi32, #tpu.memory_space<vmem>> -> memref<6400xi32, #tpu.memory_space<vmem>>
      %dma_wait3A_43 = tpu.memref_slice %arg4[%multiple_of3A] : memref<204800xi32, #tpu.memory_space<hbm>> -> memref<6400xi32, #tpu.memory_space<hbm>>
      tpu.wait_dma2 semaphore(%run_scoped3A_28 : memref<!tpu.dma_semaphore, #tpu.memory_space<semaphore_mem>>) src(%dma_wait3A_43 : memref<6400xi32, #tpu.memory_space<hbm>>) dst(%dma_wait3A_42 : memref<6400xi32, #tpu.memory_space<vmem>>)
      tpu.yield
    }) : () -> ()
    %run_scoped3A_5 = arith.constant 3 : i32
    "tpu.region"() ({
      %run_scoped3A_28 = tpu.sem_alloc : memref<!tpu.dma_semaphore, #tpu.memory_space<semaphore_mem>>
      %dma_start3A = arith.constant 0 : i32
      %dma_start3A_29 = tpu.memref_slice %arg23[%run_scoped3A_5, %dma_start3A] : memref<10x6400xi32, #tpu.memory_space<vmem>> -> memref<1x6400xi32, #tpu.memory_space<vmem>>
      %dma_start3A_30 = tpu.memref_squeeze %dma_start3A_29 : memref<1x6400xi32, #tpu.memory_space<vmem>> -> memref<6400xi32, #tpu.memory_space<vmem>>
      %dma_start3A_31 = tpu.memref_slice %arg5[%multiple_of3A] : memref<204800xi32, #tpu.memory_space<hbm>> -> memref<6400xi32, #tpu.memory_space<hbm>>
      %dma_start3A_32 = arith.constant 0 : i32
      %dma_start3A_33 = tpu.memref_slice %arg23[%run_scoped3A_5, %dma_start3A_32] : memref<10x6400xi32, #tpu.memory_space<vmem>> -> memref<1x6400xi32, #tpu.memory_space<vmem>>
      %dma_start3A_34 = tpu.memref_squeeze %dma_start3A_33 : memref<1x6400xi32, #tpu.memory_space<vmem>> -> memref<6400xi32, #tpu.memory_space<vmem>>
      %dma_start3A_35 = tpu.memref_slice %arg5[%multiple_of3A] : memref<204800xi32, #tpu.memory_space<hbm>> -> memref<6400xi32, #tpu.memory_space<hbm>>
      tpu.enqueue_dma source(%dma_start3A_35 : memref<6400xi32, #tpu.memory_space<hbm>>) target(%dma_start3A_34 : memref<6400xi32, #tpu.memory_space<vmem>>) target_semaphore(%run_scoped3A_28 : memref<!tpu.dma_semaphore, #tpu.memory_space<semaphore_mem>>)
      %dma_wait3A_36 = arith.constant 0 : i32
      %dma_wait3A_37 = tpu.memref_slice %arg23[%run_scoped3A_5, %dma_wait3A_36] : memref<10x6400xi32, #tpu.memory_space<vmem>> -> memref<1x6400xi32, #tpu.memory_space<vmem>>
      %dma_wait3A_38 = tpu.memref_squeeze %dma_wait3A_37 : memref<1x6400xi32, #tpu.memory_space<vmem>> -> memref<6400xi32, #tpu.memory_space<vmem>>
      %dma_wait3A_39 = tpu.memref_slice %arg5[%multiple_of3A] : memref<204800xi32, #tpu.memory_space<hbm>> -> memref<6400xi32, #tpu.memory_space<hbm>>
      %dma_wait3A_40 = arith.constant 0 : i32
      %dma_wait3A_41 = tpu.memref_slice %arg23[%run_scoped3A_5, %dma_wait3A_40] : memref<10x6400xi32, #tpu.memory_space<vmem>> -> memref<1x6400xi32, #tpu.memory_space<vmem>>
      %dma_wait3A_42 = tpu.memref_squeeze %dma_wait3A_41 : memref<1x6400xi32, #tpu.memory_space<vmem>> -> memref<6400xi32, #tpu.memory_space<vmem>>
      %dma_wait3A_43 = tpu.memref_slice %arg5[%multiple_of3A] : memref<204800xi32, #tpu.memory_space<hbm>> -> memref<6400xi32, #tpu.memory_space<hbm>>
      tpu.wait_dma2 semaphore(%run_scoped3A_28 : memref<!tpu.dma_semaphore, #tpu.memory_space<semaphore_mem>>) src(%dma_wait3A_43 : memref<6400xi32, #tpu.memory_space<hbm>>) dst(%dma_wait3A_42 : memref<6400xi32, #tpu.memory_space<vmem>>)
      tpu.yield
    }) : () -> ()
    %run_scoped3A_6 = arith.constant 4 : i32
    "tpu.region"() ({
      %run_scoped3A_28 = tpu.sem_alloc : memref<!tpu.dma_semaphore, #tpu.memory_space<semaphore_mem>>
      %dma_start3A = arith.constant 0 : i32
      %dma_start3A_29 = tpu.memref_slice %arg23[%run_scoped3A_6, %dma_start3A] : memref<10x6400xi32, #tpu.memory_space<vmem>> -> memref<1x6400xi32, #tpu.memory_space<vmem>>
      %dma_start3A_30 = tpu.memref_squeeze %dma_start3A_29 : memref<1x6400xi32, #tpu.memory_space<vmem>> -> memref<6400xi32, #tpu.memory_space<vmem>>
      %dma_start3A_31 = tpu.memref_slice %arg6[%multiple_of3A] : memref<204800xi32, #tpu.memory_space<hbm>> -> memref<6400xi32, #tpu.memory_space<hbm>>
      %dma_start3A_32 = arith.constant 0 : i32
      %dma_start3A_33 = tpu.memref_slice %arg23[%run_scoped3A_6, %dma_start3A_32] : memref<10x6400xi32, #tpu.memory_space<vmem>> -> memref<1x6400xi32, #tpu.memory_space<vmem>>
      %dma_start3A_34 = tpu.memref_squeeze %dma_start3A_33 : memref<1x6400xi32, #tpu.memory_space<vmem>> -> memref<6400xi32, #tpu.memory_space<vmem>>
      %dma_start3A_35 = tpu.memref_slice %arg6[%multiple_of3A] : memref<204800xi32, #tpu.memory_space<hbm>> -> memref<6400xi32, #tpu.memory_space<hbm>>
      tpu.enqueue_dma source(%dma_start3A_35 : memref<6400xi32, #tpu.memory_space<hbm>>) target(%dma_start3A_34 : memref<6400xi32, #tpu.memory_space<vmem>>) target_semaphore(%run_scoped3A_28 : memref<!tpu.dma_semaphore, #tpu.memory_space<semaphore_mem>>)
      %dma_wait3A_36 = arith.constant 0 : i32
      %dma_wait3A_37 = tpu.memref_slice %arg23[%run_scoped3A_6, %dma_wait3A_36] : memref<10x6400xi32, #tpu.memory_space<vmem>> -> memref<1x6400xi32, #tpu.memory_space<vmem>>
      %dma_wait3A_38 = tpu.memref_squeeze %dma_wait3A_37 : memref<1x6400xi32, #tpu.memory_space<vmem>> -> memref<6400xi32, #tpu.memory_space<vmem>>
      %dma_wait3A_39 = tpu.memref_slice %arg6[%multiple_of3A] : memref<204800xi32, #tpu.memory_space<hbm>> -> memref<6400xi32, #tpu.memory_space<hbm>>
      %dma_wait3A_40 = arith.constant 0 : i32
      %dma_wait3A_41 = tpu.memref_slice %arg23[%run_scoped3A_6, %dma_wait3A_40] : memref<10x6400xi32, #tpu.memory_space<vmem>> -> memref<1x6400xi32, #tpu.memory_space<vmem>>
      %dma_wait3A_42 = tpu.memref_squeeze %dma_wait3A_41 : memref<1x6400xi32, #tpu.memory_space<vmem>> -> memref<6400xi32, #tpu.memory_space<vmem>>
      %dma_wait3A_43 = tpu.memref_slice %arg6[%multiple_of3A] : memref<204800xi32, #tpu.memory_space<hbm>> -> memref<6400xi32, #tpu.memory_space<hbm>>
      tpu.wait_dma2 semaphore(%run_scoped3A_28 : memref<!tpu.dma_semaphore, #tpu.memory_space<semaphore_mem>>) src(%dma_wait3A_43 : memref<6400xi32, #tpu.memory_space<hbm>>) dst(%dma_wait3A_42 : memref<6400xi32, #tpu.memory_space<vmem>>)
      tpu.yield
    }) : () -> ()
    %run_scoped3A_7 = arith.constant 5 : i32
    "tpu.region"() ({
      %run_scoped3A_28 = tpu.sem_alloc : memref<!tpu.dma_semaphore, #tpu.memory_space<semaphore_mem>>
      %dma_start3A = arith.constant 0 : i32
      %dma_start3A_29 = tpu.memref_slice %arg23[%run_scoped3A_7, %dma_start3A] : memref<10x6400xi32, #tpu.memory_space<vmem>> -> memref<1x6400xi32, #tpu.memory_space<vmem>>
      %dma_start3A_30 = tpu.memref_squeeze %dma_start3A_29 : memref<1x6400xi32, #tpu.memory_space<vmem>> -> memref<6400xi32, #tpu.memory_space<vmem>>
      %dma_start3A_31 = tpu.memref_slice %arg7[%multiple_of3A] : memref<204800xi32, #tpu.memory_space<hbm>> -> memref<6400xi32, #tpu.memory_space<hbm>>
      %dma_start3A_32 = arith.constant 0 : i32
      %dma_start3A_33 = tpu.memref_slice %arg23[%run_scoped3A_7, %dma_start3A_32] : memref<10x6400xi32, #tpu.memory_space<vmem>> -> memref<1x6400xi32, #tpu.memory_space<vmem>>
      %dma_start3A_34 = tpu.memref_squeeze %dma_start3A_33 : memref<1x6400xi32, #tpu.memory_space<vmem>> -> memref<6400xi32, #tpu.memory_space<vmem>>
      %dma_start3A_35 = tpu.memref_slice %arg7[%multiple_of3A] : memref<204800xi32, #tpu.memory_space<hbm>> -> memref<6400xi32, #tpu.memory_space<hbm>>
      tpu.enqueue_dma source(%dma_start3A_35 : memref<6400xi32, #tpu.memory_space<hbm>>) target(%dma_start3A_34 : memref<6400xi32, #tpu.memory_space<vmem>>) target_semaphore(%run_scoped3A_28 : memref<!tpu.dma_semaphore, #tpu.memory_space<semaphore_mem>>)
      %dma_wait3A_36 = arith.constant 0 : i32
      %dma_wait3A_37 = tpu.memref_slice %arg23[%run_scoped3A_7, %dma_wait3A_36] : memref<10x6400xi32, #tpu.memory_space<vmem>> -> memref<1x6400xi32, #tpu.memory_space<vmem>>
      %dma_wait3A_38 = tpu.memref_squeeze %dma_wait3A_37 : memref<1x6400xi32, #tpu.memory_space<vmem>> -> memref<6400xi32, #tpu.memory_space<vmem>>
      %dma_wait3A_39 = tpu.memref_slice %arg7[%multiple_of3A] : memref<204800xi32, #tpu.memory_space<hbm>> -> memref<6400xi32, #tpu.memory_space<hbm>>
      %dma_wait3A_40 = arith.constant 0 : i32
      %dma_wait3A_41 = tpu.memref_slice %arg23[%run_scoped3A_7, %dma_wait3A_40] : memref<10x6400xi32, #tpu.memory_space<vmem>> -> memref<1x6400xi32, #tpu.memory_space<vmem>>
      %dma_wait3A_42 = tpu.memref_squeeze %dma_wait3A_41 : memref<1x6400xi32, #tpu.memory_space<vmem>> -> memref<6400xi32, #tpu.memory_space<vmem>>
      %dma_wait3A_43 = tpu.memref_slice %arg7[%multiple_of3A] : memref<204800xi32, #tpu.memory_space<hbm>> -> memref<6400xi32, #tpu.memory_space<hbm>>
      tpu.wait_dma2 semaphore(%run_scoped3A_28 : memref<!tpu.dma_semaphore, #tpu.memory_space<semaphore_mem>>) src(%dma_wait3A_43 : memref<6400xi32, #tpu.memory_space<hbm>>) dst(%dma_wait3A_42 : memref<6400xi32, #tpu.memory_space<vmem>>)
      tpu.yield
    }) : () -> ()
    %run_scoped3A_8 = arith.constant 6 : i32
    "tpu.region"() ({
      %run_scoped3A_28 = tpu.sem_alloc : memref<!tpu.dma_semaphore, #tpu.memory_space<semaphore_mem>>
      %dma_start3A = arith.constant 0 : i32
      %dma_start3A_29 = tpu.memref_slice %arg23[%run_scoped3A_8, %dma_start3A] : memref<10x6400xi32, #tpu.memory_space<vmem>> -> memref<1x6400xi32, #tpu.memory_space<vmem>>
      %dma_start3A_30 = tpu.memref_squeeze %dma_start3A_29 : memref<1x6400xi32, #tpu.memory_space<vmem>> -> memref<6400xi32, #tpu.memory_space<vmem>>
      %dma_start3A_31 = tpu.memref_slice %arg8[%multiple_of3A] : memref<204800xi32, #tpu.memory_space<hbm>> -> memref<6400xi32, #tpu.memory_space<hbm>>
      %dma_start3A_32 = arith.constant 0 : i32
      %dma_start3A_33 = tpu.memref_slice %arg23[%run_scoped3A_8, %dma_start3A_32] : memref<10x6400xi32, #tpu.memory_space<vmem>> -> memref<1x6400xi32, #tpu.memory_space<vmem>>
      %dma_start3A_34 = tpu.memref_squeeze %dma_start3A_33 : memref<1x6400xi32, #tpu.memory_space<vmem>> -> memref<6400xi32, #tpu.memory_space<vmem>>
      %dma_start3A_35 = tpu.memref_slice %arg8[%multiple_of3A] : memref<204800xi32, #tpu.memory_space<hbm>> -> memref<6400xi32, #tpu.memory_space<hbm>>
      tpu.enqueue_dma source(%dma_start3A_35 : memref<6400xi32, #tpu.memory_space<hbm>>) target(%dma_start3A_34 : memref<6400xi32, #tpu.memory_space<vmem>>) target_semaphore(%run_scoped3A_28 : memref<!tpu.dma_semaphore, #tpu.memory_space<semaphore_mem>>)
      %dma_wait3A_36 = arith.constant 0 : i32
      %dma_wait3A_37 = tpu.memref_slice %arg23[%run_scoped3A_8, %dma_wait3A_36] : memref<10x6400xi32, #tpu.memory_space<vmem>> -> memref<1x6400xi32, #tpu.memory_space<vmem>>
      %dma_wait3A_38 = tpu.memref_squeeze %dma_wait3A_37 : memref<1x6400xi32, #tpu.memory_space<vmem>> -> memref<6400xi32, #tpu.memory_space<vmem>>
      %dma_wait3A_39 = tpu.memref_slice %arg8[%multiple_of3A] : memref<204800xi32, #tpu.memory_space<hbm>> -> memref<6400xi32, #tpu.memory_space<hbm>>
      %dma_wait3A_40 = arith.constant 0 : i32
      %dma_wait3A_41 = tpu.memref_slice %arg23[%run_scoped3A_8, %dma_wait3A_40] : memref<10x6400xi32, #tpu.memory_space<vmem>> -> memref<1x6400xi32, #tpu.memory_space<vmem>>
      %dma_wait3A_42 = tpu.memref_squeeze %dma_wait3A_41 : memref<1x6400xi32, #tpu.memory_space<vmem>> -> memref<6400xi32, #tpu.memory_space<vmem>>
      %dma_wait3A_43 = tpu.memref_slice %arg8[%multiple_of3A] : memref<204800xi32, #tpu.memory_space<hbm>> -> memref<6400xi32, #tpu.memory_space<hbm>>
      tpu.wait_dma2 semaphore(%run_scoped3A_28 : memref<!tpu.dma_semaphore, #tpu.memory_space<semaphore_mem>>) src(%dma_wait3A_43 : memref<6400xi32, #tpu.memory_space<hbm>>) dst(%dma_wait3A_42 : memref<6400xi32, #tpu.memory_space<vmem>>)
      tpu.yield
    }) : () -> ()
    %run_scoped3A_9 = arith.constant 7 : i32
    "tpu.region"() ({
      %run_scoped3A_28 = tpu.sem_alloc : memref<!tpu.dma_semaphore, #tpu.memory_space<semaphore_mem>>
      %dma_start3A = arith.constant 0 : i32
      %dma_start3A_29 = tpu.memref_slice %arg23[%run_scoped3A_9, %dma_start3A] : memref<10x6400xi32, #tpu.memory_space<vmem>> -> memref<1x6400xi32, #tpu.memory_space<vmem>>
      %dma_start3A_30 = tpu.memref_squeeze %dma_start3A_29 : memref<1x6400xi32, #tpu.memory_space<vmem>> -> memref<6400xi32, #tpu.memory_space<vmem>>
      %dma_start3A_31 = tpu.memref_slice %arg9[%multiple_of3A] : memref<204800xi32, #tpu.memory_space<hbm>> -> memref<6400xi32, #tpu.memory_space<hbm>>
      %dma_start3A_32 = arith.constant 0 : i32
      %dma_start3A_33 = tpu.memref_slice %arg23[%run_scoped3A_9, %dma_start3A_32] : memref<10x6400xi32, #tpu.memory_space<vmem>> -> memref<1x6400xi32, #tpu.memory_space<vmem>>
      %dma_start3A_34 = tpu.memref_squeeze %dma_start3A_33 : memref<1x6400xi32, #tpu.memory_space<vmem>> -> memref<6400xi32, #tpu.memory_space<vmem>>
      %dma_start3A_35 = tpu.memref_slice %arg9[%multiple_of3A] : memref<204800xi32, #tpu.memory_space<hbm>> -> memref<6400xi32, #tpu.memory_space<hbm>>
      tpu.enqueue_dma source(%dma_start3A_35 : memref<6400xi32, #tpu.memory_space<hbm>>) target(%dma_start3A_34 : memref<6400xi32, #tpu.memory_space<vmem>>) target_semaphore(%run_scoped3A_28 : memref<!tpu.dma_semaphore, #tpu.memory_space<semaphore_mem>>)
      %dma_wait3A_36 = arith.constant 0 : i32
      %dma_wait3A_37 = tpu.memref_slice %arg23[%run_scoped3A_9, %dma_wait3A_36] : memref<10x6400xi32, #tpu.memory_space<vmem>> -> memref<1x6400xi32, #tpu.memory_space<vmem>>
      %dma_wait3A_38 = tpu.memref_squeeze %dma_wait3A_37 : memref<1x6400xi32, #tpu.memory_space<vmem>> -> memref<6400xi32, #tpu.memory_space<vmem>>
      %dma_wait3A_39 = tpu.memref_slice %arg9[%multiple_of3A] : memref<204800xi32, #tpu.memory_space<hbm>> -> memref<6400xi32, #tpu.memory_space<hbm>>
      %dma_wait3A_40 = arith.constant 0 : i32
      %dma_wait3A_41 = tpu.memref_slice %arg23[%run_scoped3A_9, %dma_wait3A_40] : memref<10x6400xi32, #tpu.memory_space<vmem>> -> memref<1x6400xi32, #tpu.memory_space<vmem>>
      %dma_wait3A_42 = tpu.memref_squeeze %dma_wait3A_41 : memref<1x6400xi32, #tpu.memory_space<vmem>> -> memref<6400xi32, #tpu.memory_space<vmem>>
      %dma_wait3A_43 = tpu.memref_slice %arg9[%multiple_of3A] : memref<204800xi32, #tpu.memory_space<hbm>> -> memref<6400xi32, #tpu.memory_space<hbm>>
      tpu.wait_dma2 semaphore(%run_scoped3A_28 : memref<!tpu.dma_semaphore, #tpu.memory_space<semaphore_mem>>) src(%dma_wait3A_43 : memref<6400xi32, #tpu.memory_space<hbm>>) dst(%dma_wait3A_42 : memref<6400xi32, #tpu.memory_space<vmem>>)
      tpu.yield
    }) : () -> ()
    %run_scoped3A_10 = arith.constant 8 : i32
    "tpu.region"() ({
      %run_scoped3A_28 = tpu.sem_alloc : memref<!tpu.dma_semaphore, #tpu.memory_space<semaphore_mem>>
      %dma_start3A = arith.constant 0 : i32
      %dma_start3A_29 = tpu.memref_slice %arg23[%run_scoped3A_10, %dma_start3A] : memref<10x6400xi32, #tpu.memory_space<vmem>> -> memref<1x6400xi32, #tpu.memory_space<vmem>>
      %dma_start3A_30 = tpu.memref_squeeze %dma_start3A_29 : memref<1x6400xi32, #tpu.memory_space<vmem>> -> memref<6400xi32, #tpu.memory_space<vmem>>
      %dma_start3A_31 = tpu.memref_slice %arg10[%multiple_of3A] : memref<204800xi32, #tpu.memory_space<hbm>> -> memref<6400xi32, #tpu.memory_space<hbm>>
      %dma_start3A_32 = arith.constant 0 : i32
      %dma_start3A_33 = tpu.memref_slice %arg23[%run_scoped3A_10, %dma_start3A_32] : memref<10x6400xi32, #tpu.memory_space<vmem>> -> memref<1x6400xi32, #tpu.memory_space<vmem>>
      %dma_start3A_34 = tpu.memref_squeeze %dma_start3A_33 : memref<1x6400xi32, #tpu.memory_space<vmem>> -> memref<6400xi32, #tpu.memory_space<vmem>>
      %dma_start3A_35 = tpu.memref_slice %arg10[%multiple_of3A] : memref<204800xi32, #tpu.memory_space<hbm>> -> memref<6400xi32, #tpu.memory_space<hbm>>
      tpu.enqueue_dma source(%dma_start3A_35 : memref<6400xi32, #tpu.memory_space<hbm>>) target(%dma_start3A_34 : memref<6400xi32, #tpu.memory_space<vmem>>) target_semaphore(%run_scoped3A_28 : memref<!tpu.dma_semaphore, #tpu.memory_space<semaphore_mem>>)
      %dma_wait3A_36 = arith.constant 0 : i32
      %dma_wait3A_37 = tpu.memref_slice %arg23[%run_scoped3A_10, %dma_wait3A_36] : memref<10x6400xi32, #tpu.memory_space<vmem>> -> memref<1x6400xi32, #tpu.memory_space<vmem>>
      %dma_wait3A_38 = tpu.memref_squeeze %dma_wait3A_37 : memref<1x6400xi32, #tpu.memory_space<vmem>> -> memref<6400xi32, #tpu.memory_space<vmem>>
      %dma_wait3A_39 = tpu.memref_slice %arg10[%multiple_of3A] : memref<204800xi32, #tpu.memory_space<hbm>> -> memref<6400xi32, #tpu.memory_space<hbm>>
      %dma_wait3A_40 = arith.constant 0 : i32
      %dma_wait3A_41 = tpu.memref_slice %arg23[%run_scoped3A_10, %dma_wait3A_40] : memref<10x6400xi32, #tpu.memory_space<vmem>> -> memref<1x6400xi32, #tpu.memory_space<vmem>>
      %dma_wait3A_42 = tpu.memref_squeeze %dma_wait3A_41 : memref<1x6400xi32, #tpu.memory_space<vmem>> -> memref<6400xi32, #tpu.memory_space<vmem>>
      %dma_wait3A_43 = tpu.memref_slice %arg10[%multiple_of3A] : memref<204800xi32, #tpu.memory_space<hbm>> -> memref<6400xi32, #tpu.memory_space<hbm>>
      tpu.wait_dma2 semaphore(%run_scoped3A_28 : memref<!tpu.dma_semaphore, #tpu.memory_space<semaphore_mem>>) src(%dma_wait3A_43 : memref<6400xi32, #tpu.memory_space<hbm>>) dst(%dma_wait3A_42 : memref<6400xi32, #tpu.memory_space<vmem>>)
      tpu.yield
    }) : () -> ()
    %run_scoped3A_11 = arith.constant 9 : i32
    "tpu.region"() ({
      %run_scoped3A_28 = tpu.sem_alloc : memref<!tpu.dma_semaphore, #tpu.memory_space<semaphore_mem>>
      %dma_start3A = arith.constant 0 : i32
      %dma_start3A_29 = tpu.memref_slice %arg23[%run_scoped3A_11, %dma_start3A] : memref<10x6400xi32, #tpu.memory_space<vmem>> -> memref<1x6400xi32, #tpu.memory_space<vmem>>
      %dma_start3A_30 = tpu.memref_squeeze %dma_start3A_29 : memref<1x6400xi32, #tpu.memory_space<vmem>> -> memref<6400xi32, #tpu.memory_space<vmem>>
      %dma_start3A_31 = tpu.memref_slice %arg11[%multiple_of3A] : memref<204800xi32, #tpu.memory_space<hbm>> -> memref<6400xi32, #tpu.memory_space<hbm>>
      %dma_start3A_32 = arith.constant 0 : i32
      %dma_start3A_33 = tpu.memref_slice %arg23[%run_scoped3A_11, %dma_start3A_32] : memref<10x6400xi32, #tpu.memory_space<vmem>> -> memref<1x6400xi32, #tpu.memory_space<vmem>>
      %dma_start3A_34 = tpu.memref_squeeze %dma_start3A_33 : memref<1x6400xi32, #tpu.memory_space<vmem>> -> memref<6400xi32, #tpu.memory_space<vmem>>
      %dma_start3A_35 = tpu.memref_slice %arg11[%multiple_of3A] : memref<204800xi32, #tpu.memory_space<hbm>> -> memref<6400xi32, #tpu.memory_space<hbm>>
      tpu.enqueue_dma source(%dma_start3A_35 : memref<6400xi32, #tpu.memory_space<hbm>>) target(%dma_start3A_34 : memref<6400xi32, #tpu.memory_space<vmem>>) target_semaphore(%run_scoped3A_28 : memref<!tpu.dma_semaphore, #tpu.memory_space<semaphore_mem>>)
      %dma_wait3A_36 = arith.constant 0 : i32
      %dma_wait3A_37 = tpu.memref_slice %arg23[%run_scoped3A_11, %dma_wait3A_36] : memref<10x6400xi32, #tpu.memory_space<vmem>> -> memref<1x6400xi32, #tpu.memory_space<vmem>>
      %dma_wait3A_38 = tpu.memref_squeeze %dma_wait3A_37 : memref<1x6400xi32, #tpu.memory_space<vmem>> -> memref<6400xi32, #tpu.memory_space<vmem>>
      %dma_wait3A_39 = tpu.memref_slice %arg11[%multiple_of3A] : memref<204800xi32, #tpu.memory_space<hbm>> -> memref<6400xi32, #tpu.memory_space<hbm>>
      %dma_wait3A_40 = arith.constant 0 : i32
      %dma_wait3A_41 = tpu.memref_slice %arg23[%run_scoped3A_11, %dma_wait3A_40] : memref<10x6400xi32, #tpu.memory_space<vmem>> -> memref<1x6400xi32, #tpu.memory_space<vmem>>
      %dma_wait3A_42 = tpu.memref_squeeze %dma_wait3A_41 : memref<1x6400xi32, #tpu.memory_space<vmem>> -> memref<6400xi32, #tpu.memory_space<vmem>>
      %dma_wait3A_43 = tpu.memref_slice %arg11[%multiple_of3A] : memref<204800xi32, #tpu.memory_space<hbm>> -> memref<6400xi32, #tpu.memory_space<hbm>>
      tpu.wait_dma2 semaphore(%run_scoped3A_28 : memref<!tpu.dma_semaphore, #tpu.memory_space<semaphore_mem>>) src(%dma_wait3A_43 : memref<6400xi32, #tpu.memory_space<hbm>>) dst(%dma_wait3A_42 : memref<6400xi32, #tpu.memory_space<vmem>>)
      tpu.yield
    }) : () -> ()
    %scan3A = arith.constant 0 : i32
    %scan3A_12 = arith.constant 0 : i32
    %scan3A_13 = arith.constant 25 : i32
    %scan3A_14 = arith.addi %scan3A_12, %scan3A_13 : i32
    %scan3A_15 = arith.constant 1 : i32
    scf.for %scan3A_28 = %scan3A_12 to %scan3A_14 step %scan3A_15  : i32 {
      %mul3A_29 = arith.constant 2 : i32
      %mul3A_30 = arith.muli %mul3A_29, %scan3A_28 : i32
      %gt3A = arith.constant 0 : i32
      %gt3A_31 = arith.cmpi sgt, %scan3A_28, %gt3A : i32
      %convert_element_type3A = arith.extui %gt3A_31 : i1 to i32
      %cond3A = arith.constant 0 : i32
      %cond3A_32 = arith.cmpi ne, %convert_element_type3A, %cond3A : i32
      scf.if %cond3A_32 {
        %dma_wait3A_545 = arith.constant 0 : i32
        %dma_wait3A_546 = arith.constant 0 : i32
        %dma_wait3A_547 = tpu.memref_slice %arg12[%dma_wait3A_545, %dma_wait3A_546] : memref<1000000x16xf32, #tpu.memory_space<hbm>> -> memref<1280x16xf32, #tpu.memory_space<hbm>>
        %dma_wait3A_548 = arith.constant 0 : i32
        %dma_wait3A_549 = arith.constant 0 : i32
        %dma_wait3A_550 = tpu.memref_slice %arg12[%dma_wait3A_548, %dma_wait3A_549] : memref<1000000x16xf32, #tpu.memory_space<hbm>> -> memref<1280x16xf32, #tpu.memory_space<hbm>>
        tpu.wait_dma2 semaphore(%arg28 : memref<!tpu.dma_semaphore, #tpu.memory_space<semaphore_mem>>) src(%dma_wait3A_550 : memref<1280x16xf32, #tpu.memory_space<hbm>>) dst(%arg24 : memref<1280x16xf32, #tpu.memory_space<vmem>>)
      } else {
      }
      %mul3A_33 = arith.constant 128 : i32
      %mul3A_34 = arith.muli %mul3A_30, %mul3A_33 : i32
      %dma_start3A = arith.constant 0 : i32
      %dma_start3A_35 = arith.constant 0 : i32
      %dma_start3A_36 = arith.constant 0 : i32
      %dma_start3A_37 = tpu.memref_slice %arg24[%dma_start3A_35, %dma_start3A_36] : memref<1280x16xf32, #tpu.memory_space<vmem>> -> memref<128x16xf32, #tpu.memory_space<vmem>>
      %dma_start3A_38 = tpu.memref_slice %arg23[%dma_start3A, %mul3A_34] : memref<10x6400xi32, #tpu.memory_space<vmem>> -> memref<1x128xi32, #tpu.memory_space<vmem>>
      %dma_start3A_39 = tpu.memref_squeeze %dma_start3A_38 : memref<1x128xi32, #tpu.memory_space<vmem>> -> memref<128xi32, #tpu.memory_space<vmem>>
      %dma_start3A_40 = arith.constant 0 : i32
      %dma_start3A_41 = arith.constant 0 : i32
      %dma_start3A_42 = tpu.memref_slice %arg12[%dma_start3A_40, %dma_start3A_41] : memref<1000000x16xf32, #tpu.memory_space<hbm>> -> memref<1000000x16xf32, #tpu.memory_space<hbm>>
      tpu.enqueue_indirect_dma source(%dma_start3A_42 : memref<1000000x16xf32, #tpu.memory_space<hbm>>) target(%dma_start3A_37 : memref<128x16xf32, #tpu.memory_space<vmem>>) offsets(%dma_start3A_39 : memref<128xi32, #tpu.memory_space<vmem>>) semaphore(%arg26 : memref<!tpu.dma_semaphore, #tpu.memory_space<semaphore_mem>>)
      %mul3A_43 = arith.constant 128 : i32
      %mul3A_44 = arith.muli %mul3A_30, %mul3A_43 : i32
      %dma_start3A_45 = arith.constant 1 : i32
      %dma_start3A_46 = arith.constant 128 : i32
      %dma_start3A_47 = arith.constant 0 : i32
      %dma_start3A_48 = tpu.memref_slice %arg24[%dma_start3A_46, %dma_start3A_47] : memref<1280x16xf32, #tpu.memory_space<vmem>> -> memref<128x16xf32, #tpu.memory_space<vmem>>
      %dma_start3A_49 = tpu.memref_slice %arg23[%dma_start3A_45, %mul3A_44] : memref<10x6400xi32, #tpu.memory_space<vmem>> -> memref<1x128xi32, #tpu.memory_space<vmem>>
      %dma_start3A_50 = tpu.memref_squeeze %dma_start3A_49 : memref<1x128xi32, #tpu.memory_space<vmem>> -> memref<128xi32, #tpu.memory_space<vmem>>
      %dma_start3A_51 = arith.constant 0 : i32
      %dma_start3A_52 = arith.constant 0 : i32
      %dma_start3A_53 = tpu.memref_slice %arg13[%dma_start3A_51, %dma_start3A_52] : memref<512x16xf32, #tpu.memory_space<hbm>> -> memref<512x16xf32, #tpu.memory_space<hbm>>
      tpu.enqueue_indirect_dma source(%dma_start3A_53 : memref<512x16xf32, #tpu.memory_space<hbm>>) target(%dma_start3A_48 : memref<128x16xf32, #tpu.memory_space<vmem>>) offsets(%dma_start3A_50 : memref<128xi32, #tpu.memory_space<vmem>>) semaphore(%arg26 : memref<!tpu.dma_semaphore, #tpu.memory_space<semaphore_mem>>)
      %mul3A_54 = arith.constant 128 : i32
      %mul3A_55 = arith.muli %mul3A_30, %mul3A_54 : i32
      %dma_start3A_56 = arith.constant 2 : i32
      %dma_start3A_57 = arith.constant 256 : i32
      %dma_start3A_58 = arith.constant 0 : i32
      %dma_start3A_59 = tpu.memref_slice %arg24[%dma_start3A_57, %dma_start3A_58] : memref<1280x16xf32, #tpu.memory_space<vmem>> -> memref<128x16xf32, #tpu.memory_space<vmem>>
      %dma_start3A_60 = tpu.memref_slice %arg23[%dma_start3A_56, %mul3A_55] : memref<10x6400xi32, #tpu.memory_space<vmem>> -> memref<1x128xi32, #tpu.memory_space<vmem>>
      %dma_start3A_61 = tpu.memref_squeeze %dma_start3A_60 : memref<1x128xi32, #tpu.memory_space<vmem>> -> memref<128xi32, #tpu.memory_space<vmem>>
      %dma_start3A_62 = arith.constant 0 : i32
      %dma_start3A_63 = arith.constant 0 : i32
      %dma_start3A_64 = tpu.memref_slice %arg14[%dma_start3A_62, %dma_start3A_63] : memref<512x16xf32, #tpu.memory_space<hbm>> -> memref<512x16xf32, #tpu.memory_space<hbm>>
      tpu.enqueue_indirect_dma source(%dma_start3A_64 : memref<512x16xf32, #tpu.memory_space<hbm>>) target(%dma_start3A_59 : memref<128x16xf32, #tpu.memory_space<vmem>>) offsets(%dma_start3A_61 : memref<128xi32, #tpu.memory_space<vmem>>) semaphore(%arg26 : memref<!tpu.dma_semaphore, #tpu.memory_space<semaphore_mem>>)
      %mul3A_65 = arith.constant 128 : i32
      %mul3A_66 = arith.muli %mul3A_30, %mul3A_65 : i32
      %dma_start3A_67 = arith.constant 3 : i32
      %dma_start3A_68 = arith.constant 384 : i32
      %dma_start3A_69 = arith.constant 0 : i32
      %dma_start3A_70 = tpu.memref_slice %arg24[%dma_start3A_68, %dma_start3A_69] : memref<1280x16xf32, #tpu.memory_space<vmem>> -> memref<128x16xf32, #tpu.memory_space<vmem>>
      %dma_start3A_71 = tpu.memref_slice %arg23[%dma_start3A_67, %mul3A_66] : memref<10x6400xi32, #tpu.memory_space<vmem>> -> memref<1x128xi32, #tpu.memory_space<vmem>>
      %dma_start3A_72 = tpu.memref_squeeze %dma_start3A_71 : memref<1x128xi32, #tpu.memory_space<vmem>> -> memref<128xi32, #tpu.memory_space<vmem>>
      %dma_start3A_73 = arith.constant 0 : i32
      %dma_start3A_74 = arith.constant 0 : i32
      %dma_start3A_75 = tpu.memref_slice %arg15[%dma_start3A_73, %dma_start3A_74] : memref<512x16xf32, #tpu.memory_space<hbm>> -> memref<512x16xf32, #tpu.memory_space<hbm>>
      tpu.enqueue_indirect_dma source(%dma_start3A_75 : memref<512x16xf32, #tpu.memory_space<hbm>>) target(%dma_start3A_70 : memref<128x16xf32, #tpu.memory_space<vmem>>) offsets(%dma_start3A_72 : memref<128xi32, #tpu.memory_space<vmem>>) semaphore(%arg26 : memref<!tpu.dma_semaphore, #tpu.memory_space<semaphore_mem>>)
      %mul3A_76 = arith.constant 128 : i32
      %mul3A_77 = arith.muli %mul3A_30, %mul3A_76 : i32
      %dma_start3A_78 = arith.constant 4 : i32
      %dma_start3A_79 = arith.constant 512 : i32
      %dma_start3A_80 = arith.constant 0 : i32
      %dma_start3A_81 = tpu.memref_slice %arg24[%dma_start3A_79, %dma_start3A_80] : memref<1280x16xf32, #tpu.memory_space<vmem>> -> memref<128x16xf32, #tpu.memory_space<vmem>>
      %dma_start3A_82 = tpu.memref_slice %arg23[%dma_start3A_78, %mul3A_77] : memref<10x6400xi32, #tpu.memory_space<vmem>> -> memref<1x128xi32, #tpu.memory_space<vmem>>
      %dma_start3A_83 = tpu.memref_squeeze %dma_start3A_82 : memref<1x128xi32, #tpu.memory_space<vmem>> -> memref<128xi32, #tpu.memory_space<vmem>>
      %dma_start3A_84 = arith.constant 0 : i32
      %dma_start3A_85 = arith.constant 0 : i32
      %dma_start3A_86 = tpu.memref_slice %arg16[%dma_start3A_84, %dma_start3A_85] : memref<512x16xf32, #tpu.memory_space<hbm>> -> memref<512x16xf32, #tpu.memory_space<hbm>>
      tpu.enqueue_indirect_dma source(%dma_start3A_86 : memref<512x16xf32, #tpu.memory_space<hbm>>) target(%dma_start3A_81 : memref<128x16xf32, #tpu.memory_space<vmem>>) offsets(%dma_start3A_83 : memref<128xi32, #tpu.memory_space<vmem>>) semaphore(%arg26 : memref<!tpu.dma_semaphore, #tpu.memory_space<semaphore_mem>>)
      %mul3A_87 = arith.constant 128 : i32
      %mul3A_88 = arith.muli %mul3A_30, %mul3A_87 : i32
      %dma_start3A_89 = arith.constant 5 : i32
      %dma_start3A_90 = arith.constant 640 : i32
      %dma_start3A_91 = arith.constant 0 : i32
      %dma_start3A_92 = tpu.memref_slice %arg24[%dma_start3A_90, %dma_start3A_91] : memref<1280x16xf32, #tpu.memory_space<vmem>> -> memref<128x16xf32, #tpu.memory_space<vmem>>
      %dma_start3A_93 = tpu.memref_slice %arg23[%dma_start3A_89, %mul3A_88] : memref<10x6400xi32, #tpu.memory_space<vmem>> -> memref<1x128xi32, #tpu.memory_space<vmem>>
      %dma_start3A_94 = tpu.memref_squeeze %dma_start3A_93 : memref<1x128xi32, #tpu.memory_space<vmem>> -> memref<128xi32, #tpu.memory_space<vmem>>
      %dma_start3A_95 = arith.constant 0 : i32
      %dma_start3A_96 = arith.constant 0 : i32
      %dma_start3A_97 = tpu.memref_slice %arg17[%dma_start3A_95, %dma_start3A_96] : memref<512x16xf32, #tpu.memory_space<hbm>> -> memref<512x16xf32, #tpu.memory_space<hbm>>
      tpu.enqueue_indirect_dma source(%dma_start3A_97 : memref<512x16xf32, #tpu.memory_space<hbm>>) target(%dma_start3A_92 : memref<128x16xf32, #tpu.memory_space<vmem>>) offsets(%dma_start3A_94 : memref<128xi32, #tpu.memory_space<vmem>>) semaphore(%arg26 : memref<!tpu.dma_semaphore, #tpu.memory_space<semaphore_mem>>)
      %mul3A_98 = arith.constant 128 : i32
      %mul3A_99 = arith.muli %mul3A_30, %mul3A_98 : i32
      %dma_start3A_100 = arith.constant 6 : i32
      %dma_start3A_101 = arith.constant 768 : i32
      %dma_start3A_102 = arith.constant 0 : i32
      %dma_start3A_103 = tpu.memref_slice %arg24[%dma_start3A_101, %dma_start3A_102] : memref<1280x16xf32, #tpu.memory_space<vmem>> -> memref<128x16xf32, #tpu.memory_space<vmem>>
      %dma_start3A_104 = tpu.memref_slice %arg23[%dma_start3A_100, %mul3A_99] : memref<10x6400xi32, #tpu.memory_space<vmem>> -> memref<1x128xi32, #tpu.memory_space<vmem>>
      %dma_start3A_105 = tpu.memref_squeeze %dma_start3A_104 : memref<1x128xi32, #tpu.memory_space<vmem>> -> memref<128xi32, #tpu.memory_space<vmem>>
      %dma_start3A_106 = arith.constant 0 : i32
      %dma_start3A_107 = arith.constant 0 : i32
      %dma_start3A_108 = tpu.memref_slice %arg18[%dma_start3A_106, %dma_start3A_107] : memref<512x16xf32, #tpu.memory_space<hbm>> -> memref<512x16xf32, #tpu.memory_space<hbm>>
      tpu.enqueue_indirect_dma source(%dma_start3A_108 : memref<512x16xf32, #tpu.memory_space<hbm>>) target(%dma_start3A_103 : memref<128x16xf32, #tpu.memory_space<vmem>>) offsets(%dma_start3A_105 : memref<128xi32, #tpu.memory_space<vmem>>) semaphore(%arg26 : memref<!tpu.dma_semaphore, #tpu.memory_space<semaphore_mem>>)
      %mul3A_109 = arith.constant 128 : i32
      %mul3A_110 = arith.muli %mul3A_30, %mul3A_109 : i32
      %dma_start3A_111 = arith.constant 7 : i32
      %dma_start3A_112 = arith.constant 896 : i32
      %dma_start3A_113 = arith.constant 0 : i32
      %dma_start3A_114 = tpu.memref_slice %arg24[%dma_start3A_112, %dma_start3A_113] : memref<1280x16xf32, #tpu.memory_space<vmem>> -> memref<128x16xf32, #tpu.memory_space<vmem>>
      %dma_start3A_115 = tpu.memref_slice %arg23[%dma_start3A_111, %mul3A_110] : memref<10x6400xi32, #tpu.memory_space<vmem>> -> memref<1x128xi32, #tpu.memory_space<vmem>>
      %dma_start3A_116 = tpu.memref_squeeze %dma_start3A_115 : memref<1x128xi32, #tpu.memory_space<vmem>> -> memref<128xi32, #tpu.memory_space<vmem>>
      %dma_start3A_117 = arith.constant 0 : i32
      %dma_start3A_118 = arith.constant 0 : i32
      %dma_start3A_119 = tpu.memref_slice %arg19[%dma_start3A_117, %dma_start3A_118] : memref<4x16xf32, #tpu.memory_space<hbm>> -> memref<4x16xf32, #tpu.memory_space<hbm>>
      tpu.enqueue_indirect_dma source(%dma_start3A_119 : memref<4x16xf32, #tpu.memory_space<hbm>>) target(%dma_start3A_114 : memref<128x16xf32, #tpu.memory_space<vmem>>) offsets(%dma_start3A_116 : memref<128xi32, #tpu.memory_space<vmem>>) semaphore(%arg26 : memref<!tpu.dma_semaphore, #tpu.memory_space<semaphore_mem>>)
      %mul3A_120 = arith.constant 128 : i32
      %mul3A_121 = arith.muli %mul3A_30, %mul3A_120 : i32
      %dma_start3A_122 = arith.constant 8 : i32
      %dma_start3A_123 = arith.constant 1024 : i32
      %dma_start3A_124 = arith.constant 0 : i32
      %dma_start3A_125 = tpu.memref_slice %arg24[%dma_start3A_123, %dma_start3A_124] : memref<1280x16xf32, #tpu.memory_space<vmem>> -> memref<128x16xf32, #tpu.memory_space<vmem>>
      %dma_start3A_126 = tpu.memref_slice %arg23[%dma_start3A_122, %mul3A_121] : memref<10x6400xi32, #tpu.memory_space<vmem>> -> memref<1x128xi32, #tpu.memory_space<vmem>>
      %dma_start3A_127 = tpu.memref_squeeze %dma_start3A_126 : memref<1x128xi32, #tpu.memory_space<vmem>> -> memref<128xi32, #tpu.memory_space<vmem>>
      %dma_start3A_128 = arith.constant 0 : i32
      %dma_start3A_129 = arith.constant 0 : i32
      %dma_start3A_130 = tpu.memref_slice %arg20[%dma_start3A_128, %dma_start3A_129] : memref<512x16xf32, #tpu.memory_space<hbm>> -> memref<512x16xf32, #tpu.memory_space<hbm>>
      tpu.enqueue_indirect_dma source(%dma_start3A_130 : memref<512x16xf32, #tpu.memory_space<hbm>>) target(%dma_start3A_125 : memref<128x16xf32, #tpu.memory_space<vmem>>) offsets(%dma_start3A_127 : memref<128xi32, #tpu.memory_space<vmem>>) semaphore(%arg26 : memref<!tpu.dma_semaphore, #tpu.memory_space<semaphore_mem>>)
      %mul3A_131 = arith.constant 128 : i32
      %mul3A_132 = arith.muli %mul3A_30, %mul3A_131 : i32
      %dma_start3A_133 = arith.constant 9 : i32
      %dma_start3A_134 = arith.constant 1152 : i32
      %dma_start3A_135 = arith.constant 0 : i32
      %dma_start3A_136 = tpu.memref_slice %arg24[%dma_start3A_134, %dma_start3A_135] : memref<1280x16xf32, #tpu.memory_space<vmem>> -> memref<128x16xf32, #tpu.memory_space<vmem>>
      %dma_start3A_137 = tpu.memref_slice %arg23[%dma_start3A_133, %mul3A_132] : memref<10x6400xi32, #tpu.memory_space<vmem>> -> memref<1x128xi32, #tpu.memory_space<vmem>>
      %dma_start3A_138 = tpu.memref_squeeze %dma_start3A_137 : memref<1x128xi32, #tpu.memory_space<vmem>> -> memref<128xi32, #tpu.memory_space<vmem>>
      %dma_start3A_139 = arith.constant 0 : i32
      %dma_start3A_140 = arith.constant 0 : i32
      %dma_start3A_141 = tpu.memref_slice %arg21[%dma_start3A_139, %dma_start3A_140] : memref<512x16xf32, #tpu.memory_space<hbm>> -> memref<512x16xf32, #tpu.memory_space<hbm>>
      tpu.enqueue_indirect_dma source(%dma_start3A_141 : memref<512x16xf32, #tpu.memory_space<hbm>>) target(%dma_start3A_136 : memref<128x16xf32, #tpu.memory_space<vmem>>) offsets(%dma_start3A_138 : memref<128xi32, #tpu.memory_space<vmem>>) semaphore(%arg26 : memref<!tpu.dma_semaphore, #tpu.memory_space<semaphore_mem>>)
      %gt3A_142 = arith.constant 0 : i32
      %gt3A_143 = arith.cmpi sgt, %scan3A_28, %gt3A_142 : i32
      %convert_element_type3A_144 = arith.extui %gt3A_143 : i1 to i32
      %cond3A_145 = arith.constant 0 : i32
      %cond3A_146 = arith.cmpi ne, %convert_element_type3A_144, %cond3A_145 : i32
      scf.if %cond3A_146 {
        %dma_wait3A_545 = arith.constant 0 : i32
        %dma_wait3A_546 = arith.constant 0 : i32
        %dma_wait3A_547 = tpu.memref_slice %arg12[%dma_wait3A_545, %dma_wait3A_546] : memref<1000000x16xf32, #tpu.memory_space<hbm>> -> memref<1280x16xf32, #tpu.memory_space<hbm>>
        %dma_wait3A_548 = arith.constant 0 : i32
        %dma_wait3A_549 = arith.constant 0 : i32
        %dma_wait3A_550 = tpu.memref_slice %arg12[%dma_wait3A_548, %dma_wait3A_549] : memref<1000000x16xf32, #tpu.memory_space<hbm>> -> memref<1280x16xf32, #tpu.memory_space<hbm>>
        tpu.wait_dma2 semaphore(%arg29 : memref<!tpu.dma_semaphore, #tpu.memory_space<semaphore_mem>>) src(%dma_wait3A_550 : memref<1280x16xf32, #tpu.memory_space<hbm>>) dst(%arg24 : memref<1280x16xf32, #tpu.memory_space<vmem>>)
      } else {
      }
      %add3A_147 = arith.constant 1 : i32
      %add3A_148 = arith.addi %mul3A_30, %add3A_147 : i32
      %mul3A_149 = arith.constant 128 : i32
      %mul3A_150 = arith.muli %add3A_148, %mul3A_149 : i32
      %dma_start3A_151 = arith.constant 0 : i32
      %dma_start3A_152 = arith.constant 0 : i32
      %dma_start3A_153 = arith.constant 0 : i32
      %dma_start3A_154 = tpu.memref_slice %arg25[%dma_start3A_152, %dma_start3A_153] : memref<1280x16xf32, #tpu.memory_space<vmem>> -> memref<128x16xf32, #tpu.memory_space<vmem>>
      %dma_start3A_155 = tpu.memref_slice %arg23[%dma_start3A_151, %mul3A_150] : memref<10x6400xi32, #tpu.memory_space<vmem>> -> memref<1x128xi32, #tpu.memory_space<vmem>>
      %dma_start3A_156 = tpu.memref_squeeze %dma_start3A_155 : memref<1x128xi32, #tpu.memory_space<vmem>> -> memref<128xi32, #tpu.memory_space<vmem>>
      %dma_start3A_157 = arith.constant 0 : i32
      %dma_start3A_158 = arith.constant 0 : i32
      %dma_start3A_159 = tpu.memref_slice %arg12[%dma_start3A_157, %dma_start3A_158] : memref<1000000x16xf32, #tpu.memory_space<hbm>> -> memref<1000000x16xf32, #tpu.memory_space<hbm>>
      tpu.enqueue_indirect_dma source(%dma_start3A_159 : memref<1000000x16xf32, #tpu.memory_space<hbm>>) target(%dma_start3A_154 : memref<128x16xf32, #tpu.memory_space<vmem>>) offsets(%dma_start3A_156 : memref<128xi32, #tpu.memory_space<vmem>>) semaphore(%arg27 : memref<!tpu.dma_semaphore, #tpu.memory_space<semaphore_mem>>)
      %mul3A_160 = arith.constant 128 : i32
      %mul3A_161 = arith.muli %add3A_148, %mul3A_160 : i32
      %dma_start3A_162 = arith.constant 1 : i32
      %dma_start3A_163 = arith.constant 128 : i32
      %dma_start3A_164 = arith.constant 0 : i32
      %dma_start3A_165 = tpu.memref_slice %arg25[%dma_start3A_163, %dma_start3A_164] : memref<1280x16xf32, #tpu.memory_space<vmem>> -> memref<128x16xf32, #tpu.memory_space<vmem>>
      %dma_start3A_166 = tpu.memref_slice %arg23[%dma_start3A_162, %mul3A_161] : memref<10x6400xi32, #tpu.memory_space<vmem>> -> memref<1x128xi32, #tpu.memory_space<vmem>>
      %dma_start3A_167 = tpu.memref_squeeze %dma_start3A_166 : memref<1x128xi32, #tpu.memory_space<vmem>> -> memref<128xi32, #tpu.memory_space<vmem>>
      %dma_start3A_168 = arith.constant 0 : i32
      %dma_start3A_169 = arith.constant 0 : i32
      %dma_start3A_170 = tpu.memref_slice %arg13[%dma_start3A_168, %dma_start3A_169] : memref<512x16xf32, #tpu.memory_space<hbm>> -> memref<512x16xf32, #tpu.memory_space<hbm>>
      tpu.enqueue_indirect_dma source(%dma_start3A_170 : memref<512x16xf32, #tpu.memory_space<hbm>>) target(%dma_start3A_165 : memref<128x16xf32, #tpu.memory_space<vmem>>) offsets(%dma_start3A_167 : memref<128xi32, #tpu.memory_space<vmem>>) semaphore(%arg27 : memref<!tpu.dma_semaphore, #tpu.memory_space<semaphore_mem>>)
      %mul3A_171 = arith.constant 128 : i32
      %mul3A_172 = arith.muli %add3A_148, %mul3A_171 : i32
      %dma_start3A_173 = arith.constant 2 : i32
      %dma_start3A_174 = arith.constant 256 : i32
      %dma_start3A_175 = arith.constant 0 : i32
      %dma_start3A_176 = tpu.memref_slice %arg25[%dma_start3A_174, %dma_start3A_175] : memref<1280x16xf32, #tpu.memory_space<vmem>> -> memref<128x16xf32, #tpu.memory_space<vmem>>
      %dma_start3A_177 = tpu.memref_slice %arg23[%dma_start3A_173, %mul3A_172] : memref<10x6400xi32, #tpu.memory_space<vmem>> -> memref<1x128xi32, #tpu.memory_space<vmem>>
      %dma_start3A_178 = tpu.memref_squeeze %dma_start3A_177 : memref<1x128xi32, #tpu.memory_space<vmem>> -> memref<128xi32, #tpu.memory_space<vmem>>
      %dma_start3A_179 = arith.constant 0 : i32
      %dma_start3A_180 = arith.constant 0 : i32
      %dma_start3A_181 = tpu.memref_slice %arg14[%dma_start3A_179, %dma_start3A_180] : memref<512x16xf32, #tpu.memory_space<hbm>> -> memref<512x16xf32, #tpu.memory_space<hbm>>
      tpu.enqueue_indirect_dma source(%dma_start3A_181 : memref<512x16xf32, #tpu.memory_space<hbm>>) target(%dma_start3A_176 : memref<128x16xf32, #tpu.memory_space<vmem>>) offsets(%dma_start3A_178 : memref<128xi32, #tpu.memory_space<vmem>>) semaphore(%arg27 : memref<!tpu.dma_semaphore, #tpu.memory_space<semaphore_mem>>)
      %mul3A_182 = arith.constant 128 : i32
      %mul3A_183 = arith.muli %add3A_148, %mul3A_182 : i32
      %dma_start3A_184 = arith.constant 3 : i32
      %dma_start3A_185 = arith.constant 384 : i32
      %dma_start3A_186 = arith.constant 0 : i32
      %dma_start3A_187 = tpu.memref_slice %arg25[%dma_start3A_185, %dma_start3A_186] : memref<1280x16xf32, #tpu.memory_space<vmem>> -> memref<128x16xf32, #tpu.memory_space<vmem>>
      %dma_start3A_188 = tpu.memref_slice %arg23[%dma_start3A_184, %mul3A_183] : memref<10x6400xi32, #tpu.memory_space<vmem>> -> memref<1x128xi32, #tpu.memory_space<vmem>>
      %dma_start3A_189 = tpu.memref_squeeze %dma_start3A_188 : memref<1x128xi32, #tpu.memory_space<vmem>> -> memref<128xi32, #tpu.memory_space<vmem>>
      %dma_start3A_190 = arith.constant 0 : i32
      %dma_start3A_191 = arith.constant 0 : i32
      %dma_start3A_192 = tpu.memref_slice %arg15[%dma_start3A_190, %dma_start3A_191] : memref<512x16xf32, #tpu.memory_space<hbm>> -> memref<512x16xf32, #tpu.memory_space<hbm>>
      tpu.enqueue_indirect_dma source(%dma_start3A_192 : memref<512x16xf32, #tpu.memory_space<hbm>>) target(%dma_start3A_187 : memref<128x16xf32, #tpu.memory_space<vmem>>) offsets(%dma_start3A_189 : memref<128xi32, #tpu.memory_space<vmem>>) semaphore(%arg27 : memref<!tpu.dma_semaphore, #tpu.memory_space<semaphore_mem>>)
      %mul3A_193 = arith.constant 128 : i32
      %mul3A_194 = arith.muli %add3A_148, %mul3A_193 : i32
      %dma_start3A_195 = arith.constant 4 : i32
      %dma_start3A_196 = arith.constant 512 : i32
      %dma_start3A_197 = arith.constant 0 : i32
      %dma_start3A_198 = tpu.memref_slice %arg25[%dma_start3A_196, %dma_start3A_197] : memref<1280x16xf32, #tpu.memory_space<vmem>> -> memref<128x16xf32, #tpu.memory_space<vmem>>
      %dma_start3A_199 = tpu.memref_slice %arg23[%dma_start3A_195, %mul3A_194] : memref<10x6400xi32, #tpu.memory_space<vmem>> -> memref<1x128xi32, #tpu.memory_space<vmem>>
      %dma_start3A_200 = tpu.memref_squeeze %dma_start3A_199 : memref<1x128xi32, #tpu.memory_space<vmem>> -> memref<128xi32, #tpu.memory_space<vmem>>
      %dma_start3A_201 = arith.constant 0 : i32
      %dma_start3A_202 = arith.constant 0 : i32
      %dma_start3A_203 = tpu.memref_slice %arg16[%dma_start3A_201, %dma_start3A_202] : memref<512x16xf32, #tpu.memory_space<hbm>> -> memref<512x16xf32, #tpu.memory_space<hbm>>
      tpu.enqueue_indirect_dma source(%dma_start3A_203 : memref<512x16xf32, #tpu.memory_space<hbm>>) target(%dma_start3A_198 : memref<128x16xf32, #tpu.memory_space<vmem>>) offsets(%dma_start3A_200 : memref<128xi32, #tpu.memory_space<vmem>>) semaphore(%arg27 : memref<!tpu.dma_semaphore, #tpu.memory_space<semaphore_mem>>)
      %mul3A_204 = arith.constant 128 : i32
      %mul3A_205 = arith.muli %add3A_148, %mul3A_204 : i32
      %dma_start3A_206 = arith.constant 5 : i32
      %dma_start3A_207 = arith.constant 640 : i32
      %dma_start3A_208 = arith.constant 0 : i32
      %dma_start3A_209 = tpu.memref_slice %arg25[%dma_start3A_207, %dma_start3A_208] : memref<1280x16xf32, #tpu.memory_space<vmem>> -> memref<128x16xf32, #tpu.memory_space<vmem>>
      %dma_start3A_210 = tpu.memref_slice %arg23[%dma_start3A_206, %mul3A_205] : memref<10x6400xi32, #tpu.memory_space<vmem>> -> memref<1x128xi32, #tpu.memory_space<vmem>>
      %dma_start3A_211 = tpu.memref_squeeze %dma_start3A_210 : memref<1x128xi32, #tpu.memory_space<vmem>> -> memref<128xi32, #tpu.memory_space<vmem>>
      %dma_start3A_212 = arith.constant 0 : i32
      %dma_start3A_213 = arith.constant 0 : i32
      %dma_start3A_214 = tpu.memref_slice %arg17[%dma_start3A_212, %dma_start3A_213] : memref<512x16xf32, #tpu.memory_space<hbm>> -> memref<512x16xf32, #tpu.memory_space<hbm>>
      tpu.enqueue_indirect_dma source(%dma_start3A_214 : memref<512x16xf32, #tpu.memory_space<hbm>>) target(%dma_start3A_209 : memref<128x16xf32, #tpu.memory_space<vmem>>) offsets(%dma_start3A_211 : memref<128xi32, #tpu.memory_space<vmem>>) semaphore(%arg27 : memref<!tpu.dma_semaphore, #tpu.memory_space<semaphore_mem>>)
      %mul3A_215 = arith.constant 128 : i32
      %mul3A_216 = arith.muli %add3A_148, %mul3A_215 : i32
      %dma_start3A_217 = arith.constant 6 : i32
      %dma_start3A_218 = arith.constant 768 : i32
      %dma_start3A_219 = arith.constant 0 : i32
      %dma_start3A_220 = tpu.memref_slice %arg25[%dma_start3A_218, %dma_start3A_219] : memref<1280x16xf32, #tpu.memory_space<vmem>> -> memref<128x16xf32, #tpu.memory_space<vmem>>
      %dma_start3A_221 = tpu.memref_slice %arg23[%dma_start3A_217, %mul3A_216] : memref<10x6400xi32, #tpu.memory_space<vmem>> -> memref<1x128xi32, #tpu.memory_space<vmem>>
      %dma_start3A_222 = tpu.memref_squeeze %dma_start3A_221 : memref<1x128xi32, #tpu.memory_space<vmem>> -> memref<128xi32, #tpu.memory_space<vmem>>
      %dma_start3A_223 = arith.constant 0 : i32
      %dma_start3A_224 = arith.constant 0 : i32
      %dma_start3A_225 = tpu.memref_slice %arg18[%dma_start3A_223, %dma_start3A_224] : memref<512x16xf32, #tpu.memory_space<hbm>> -> memref<512x16xf32, #tpu.memory_space<hbm>>
      tpu.enqueue_indirect_dma source(%dma_start3A_225 : memref<512x16xf32, #tpu.memory_space<hbm>>) target(%dma_start3A_220 : memref<128x16xf32, #tpu.memory_space<vmem>>) offsets(%dma_start3A_222 : memref<128xi32, #tpu.memory_space<vmem>>) semaphore(%arg27 : memref<!tpu.dma_semaphore, #tpu.memory_space<semaphore_mem>>)
      %mul3A_226 = arith.constant 128 : i32
      %mul3A_227 = arith.muli %add3A_148, %mul3A_226 : i32
      %dma_start3A_228 = arith.constant 7 : i32
      %dma_start3A_229 = arith.constant 896 : i32
      %dma_start3A_230 = arith.constant 0 : i32
      %dma_start3A_231 = tpu.memref_slice %arg25[%dma_start3A_229, %dma_start3A_230] : memref<1280x16xf32, #tpu.memory_space<vmem>> -> memref<128x16xf32, #tpu.memory_space<vmem>>
      %dma_start3A_232 = tpu.memref_slice %arg23[%dma_start3A_228, %mul3A_227] : memref<10x6400xi32, #tpu.memory_space<vmem>> -> memref<1x128xi32, #tpu.memory_space<vmem>>
      %dma_start3A_233 = tpu.memref_squeeze %dma_start3A_232 : memref<1x128xi32, #tpu.memory_space<vmem>> -> memref<128xi32, #tpu.memory_space<vmem>>
      %dma_start3A_234 = arith.constant 0 : i32
      %dma_start3A_235 = arith.constant 0 : i32
      %dma_start3A_236 = tpu.memref_slice %arg19[%dma_start3A_234, %dma_start3A_235] : memref<4x16xf32, #tpu.memory_space<hbm>> -> memref<4x16xf32, #tpu.memory_space<hbm>>
      tpu.enqueue_indirect_dma source(%dma_start3A_236 : memref<4x16xf32, #tpu.memory_space<hbm>>) target(%dma_start3A_231 : memref<128x16xf32, #tpu.memory_space<vmem>>) offsets(%dma_start3A_233 : memref<128xi32, #tpu.memory_space<vmem>>) semaphore(%arg27 : memref<!tpu.dma_semaphore, #tpu.memory_space<semaphore_mem>>)
      %mul3A_237 = arith.constant 128 : i32
      %mul3A_238 = arith.muli %add3A_148, %mul3A_237 : i32
      %dma_start3A_239 = arith.constant 8 : i32
      %dma_start3A_240 = arith.constant 1024 : i32
      %dma_start3A_241 = arith.constant 0 : i32
      %dma_start3A_242 = tpu.memref_slice %arg25[%dma_start3A_240, %dma_start3A_241] : memref<1280x16xf32, #tpu.memory_space<vmem>> -> memref<128x16xf32, #tpu.memory_space<vmem>>
      %dma_start3A_243 = tpu.memref_slice %arg23[%dma_start3A_239, %mul3A_238] : memref<10x6400xi32, #tpu.memory_space<vmem>> -> memref<1x128xi32, #tpu.memory_space<vmem>>
      %dma_start3A_244 = tpu.memref_squeeze %dma_start3A_243 : memref<1x128xi32, #tpu.memory_space<vmem>> -> memref<128xi32, #tpu.memory_space<vmem>>
      %dma_start3A_245 = arith.constant 0 : i32
      %dma_start3A_246 = arith.constant 0 : i32
      %dma_start3A_247 = tpu.memref_slice %arg20[%dma_start3A_245, %dma_start3A_246] : memref<512x16xf32, #tpu.memory_space<hbm>> -> memref<512x16xf32, #tpu.memory_space<hbm>>
      tpu.enqueue_indirect_dma source(%dma_start3A_247 : memref<512x16xf32, #tpu.memory_space<hbm>>) target(%dma_start3A_242 : memref<128x16xf32, #tpu.memory_space<vmem>>) offsets(%dma_start3A_244 : memref<128xi32, #tpu.memory_space<vmem>>) semaphore(%arg27 : memref<!tpu.dma_semaphore, #tpu.memory_space<semaphore_mem>>)
      %mul3A_248 = arith.constant 128 : i32
      %mul3A_249 = arith.muli %add3A_148, %mul3A_248 : i32
      %dma_start3A_250 = arith.constant 9 : i32
      %dma_start3A_251 = arith.constant 1152 : i32
      %dma_start3A_252 = arith.constant 0 : i32
      %dma_start3A_253 = tpu.memref_slice %arg25[%dma_start3A_251, %dma_start3A_252] : memref<1280x16xf32, #tpu.memory_space<vmem>> -> memref<128x16xf32, #tpu.memory_space<vmem>>
      %dma_start3A_254 = tpu.memref_slice %arg23[%dma_start3A_250, %mul3A_249] : memref<10x6400xi32, #tpu.memory_space<vmem>> -> memref<1x128xi32, #tpu.memory_space<vmem>>
      %dma_start3A_255 = tpu.memref_squeeze %dma_start3A_254 : memref<1x128xi32, #tpu.memory_space<vmem>> -> memref<128xi32, #tpu.memory_space<vmem>>
      %dma_start3A_256 = arith.constant 0 : i32
      %dma_start3A_257 = arith.constant 0 : i32
      %dma_start3A_258 = tpu.memref_slice %arg21[%dma_start3A_256, %dma_start3A_257] : memref<512x16xf32, #tpu.memory_space<hbm>> -> memref<512x16xf32, #tpu.memory_space<hbm>>
      tpu.enqueue_indirect_dma source(%dma_start3A_258 : memref<512x16xf32, #tpu.memory_space<hbm>>) target(%dma_start3A_253 : memref<128x16xf32, #tpu.memory_space<vmem>>) offsets(%dma_start3A_255 : memref<128xi32, #tpu.memory_space<vmem>>) semaphore(%arg27 : memref<!tpu.dma_semaphore, #tpu.memory_space<semaphore_mem>>)
      %dma_wait3A_259 = arith.constant 0 : i32
      %dma_wait3A_260 = arith.constant 0 : i32
      %dma_wait3A_261 = tpu.memref_slice %arg12[%dma_wait3A_259, %dma_wait3A_260] : memref<1000000x16xf32, #tpu.memory_space<hbm>> -> memref<1280x16xf32, #tpu.memory_space<hbm>>
      %dma_wait3A_262 = arith.constant 0 : i32
      %dma_wait3A_263 = arith.constant 0 : i32
      %dma_wait3A_264 = tpu.memref_slice %arg12[%dma_wait3A_262, %dma_wait3A_263] : memref<1000000x16xf32, #tpu.memory_space<hbm>> -> memref<1280x16xf32, #tpu.memory_space<hbm>>
      tpu.wait_dma2 semaphore(%arg26 : memref<!tpu.dma_semaphore, #tpu.memory_space<semaphore_mem>>) src(%dma_wait3A_264 : memref<1280x16xf32, #tpu.memory_space<hbm>>) dst(%arg24 : memref<1280x16xf32, #tpu.memory_space<vmem>>)
      %mul3A_265 = arith.constant 6400 : i32
      %mul3A_266 = arith.muli %add3A, %mul3A_265 : i32
      %mul3A_267 = arith.constant 128 : i32
      %mul3A_268 = arith.muli %mul3A_30, %mul3A_267 : i32
      %add3A_269 = arith.addi %mul3A_266, %mul3A_268 : i32
      %multiple_of3A_270 = tpu.assume_multiple %add3A_269, 8 : i32
      %dma_start3A_271 = arith.constant 0 : i32
      %dma_start3A_272 = arith.constant 0 : i32
      %dma_start3A_273 = arith.constant 0 : i32
      %dma_start3A_274 = tpu.memref_slice %arg24[%dma_start3A_272, %dma_start3A_273] : memref<1280x16xf32, #tpu.memory_space<vmem>> -> memref<128x16xf32, #tpu.memory_space<vmem>>
      %dma_start3A_275 = arith.constant 0 : i32
      %dma_start3A_276 = tpu.memref_slice %arg22[%multiple_of3A_270, %dma_start3A_271, %dma_start3A_275] : memref<204800x10x16xf32, #tpu.memory_space<hbm>> -> memref<128x1x16xf32, #tpu.memory_space<hbm>>
      %dma_start3A_277 = tpu.memref_squeeze %dma_start3A_276 : memref<128x1x16xf32, #tpu.memory_space<hbm>> -> memref<128x16xf32, #tpu.memory_space<hbm>>
      %dma_start3A_278 = arith.constant 0 : i32
      %dma_start3A_279 = tpu.memref_slice %arg22[%multiple_of3A_270, %dma_start3A_271, %dma_start3A_278] : memref<204800x10x16xf32, #tpu.memory_space<hbm>> -> memref<128x1x16xf32, #tpu.memory_space<hbm>>
      %dma_start3A_280 = tpu.memref_squeeze %dma_start3A_279 : memref<128x1x16xf32, #tpu.memory_space<hbm>> -> memref<128x16xf32, #tpu.memory_space<hbm>>
      %dma_start3A_281 = arith.constant 0 : i32
      %dma_start3A_282 = arith.constant 0 : i32
      %dma_start3A_283 = tpu.memref_slice %arg24[%dma_start3A_281, %dma_start3A_282] : memref<1280x16xf32, #tpu.memory_space<vmem>> -> memref<128x16xf32, #tpu.memory_space<vmem>>
      tpu.enqueue_dma source(%dma_start3A_283 : memref<128x16xf32, #tpu.memory_space<vmem>>) target(%dma_start3A_280 : memref<128x16xf32, #tpu.memory_space<hbm>>) target_semaphore(%arg28 : memref<!tpu.dma_semaphore, #tpu.memory_space<semaphore_mem>>)
      %dma_start3A_284 = arith.constant 1 : i32
      %dma_start3A_285 = arith.constant 128 : i32
      %dma_start3A_286 = arith.constant 0 : i32
      %dma_start3A_287 = tpu.memref_slice %arg24[%dma_start3A_285, %dma_start3A_286] : memref<1280x16xf32, #tpu.memory_space<vmem>> -> memref<128x16xf32, #tpu.memory_space<vmem>>
      %dma_start3A_288 = arith.constant 0 : i32
      %dma_start3A_289 = tpu.memref_slice %arg22[%multiple_of3A_270, %dma_start3A_284, %dma_start3A_288] : memref<204800x10x16xf32, #tpu.memory_space<hbm>> -> memref<128x1x16xf32, #tpu.memory_space<hbm>>
      %dma_start3A_290 = tpu.memref_squeeze %dma_start3A_289 : memref<128x1x16xf32, #tpu.memory_space<hbm>> -> memref<128x16xf32, #tpu.memory_space<hbm>>
      %dma_start3A_291 = arith.constant 0 : i32
      %dma_start3A_292 = tpu.memref_slice %arg22[%multiple_of3A_270, %dma_start3A_284, %dma_start3A_291] : memref<204800x10x16xf32, #tpu.memory_space<hbm>> -> memref<128x1x16xf32, #tpu.memory_space<hbm>>
      %dma_start3A_293 = tpu.memref_squeeze %dma_start3A_292 : memref<128x1x16xf32, #tpu.memory_space<hbm>> -> memref<128x16xf32, #tpu.memory_space<hbm>>
      %dma_start3A_294 = arith.constant 128 : i32
      %dma_start3A_295 = arith.constant 0 : i32
      %dma_start3A_296 = tpu.memref_slice %arg24[%dma_start3A_294, %dma_start3A_295] : memref<1280x16xf32, #tpu.memory_space<vmem>> -> memref<128x16xf32, #tpu.memory_space<vmem>>
      tpu.enqueue_dma source(%dma_start3A_296 : memref<128x16xf32, #tpu.memory_space<vmem>>) target(%dma_start3A_293 : memref<128x16xf32, #tpu.memory_space<hbm>>) target_semaphore(%arg28 : memref<!tpu.dma_semaphore, #tpu.memory_space<semaphore_mem>>)
      %dma_start3A_297 = arith.constant 2 : i32
      %dma_start3A_298 = arith.constant 256 : i32
      %dma_start3A_299 = arith.constant 0 : i32
      %dma_start3A_300 = tpu.memref_slice %arg24[%dma_start3A_298, %dma_start3A_299] : memref<1280x16xf32, #tpu.memory_space<vmem>> -> memref<128x16xf32, #tpu.memory_space<vmem>>
      %dma_start3A_301 = arith.constant 0 : i32
      %dma_start3A_302 = tpu.memref_slice %arg22[%multiple_of3A_270, %dma_start3A_297, %dma_start3A_301] : memref<204800x10x16xf32, #tpu.memory_space<hbm>> -> memref<128x1x16xf32, #tpu.memory_space<hbm>>
      %dma_start3A_303 = tpu.memref_squeeze %dma_start3A_302 : memref<128x1x16xf32, #tpu.memory_space<hbm>> -> memref<128x16xf32, #tpu.memory_space<hbm>>
      %dma_start3A_304 = arith.constant 0 : i32
      %dma_start3A_305 = tpu.memref_slice %arg22[%multiple_of3A_270, %dma_start3A_297, %dma_start3A_304] : memref<204800x10x16xf32, #tpu.memory_space<hbm>> -> memref<128x1x16xf32, #tpu.memory_space<hbm>>
      %dma_start3A_306 = tpu.memref_squeeze %dma_start3A_305 : memref<128x1x16xf32, #tpu.memory_space<hbm>> -> memref<128x16xf32, #tpu.memory_space<hbm>>
      %dma_start3A_307 = arith.constant 256 : i32
      %dma_start3A_308 = arith.constant 0 : i32
      %dma_start3A_309 = tpu.memref_slice %arg24[%dma_start3A_307, %dma_start3A_308] : memref<1280x16xf32, #tpu.memory_space<vmem>> -> memref<128x16xf32, #tpu.memory_space<vmem>>
      tpu.enqueue_dma source(%dma_start3A_309 : memref<128x16xf32, #tpu.memory_space<vmem>>) target(%dma_start3A_306 : memref<128x16xf32, #tpu.memory_space<hbm>>) target_semaphore(%arg28 : memref<!tpu.dma_semaphore, #tpu.memory_space<semaphore_mem>>)
      %dma_start3A_310 = arith.constant 3 : i32
      %dma_start3A_311 = arith.constant 384 : i32
      %dma_start3A_312 = arith.constant 0 : i32
      %dma_start3A_313 = tpu.memref_slice %arg24[%dma_start3A_311, %dma_start3A_312] : memref<1280x16xf32, #tpu.memory_space<vmem>> -> memref<128x16xf32, #tpu.memory_space<vmem>>
      %dma_start3A_314 = arith.constant 0 : i32
      %dma_start3A_315 = tpu.memref_slice %arg22[%multiple_of3A_270, %dma_start3A_310, %dma_start3A_314] : memref<204800x10x16xf32, #tpu.memory_space<hbm>> -> memref<128x1x16xf32, #tpu.memory_space<hbm>>
      %dma_start3A_316 = tpu.memref_squeeze %dma_start3A_315 : memref<128x1x16xf32, #tpu.memory_space<hbm>> -> memref<128x16xf32, #tpu.memory_space<hbm>>
      %dma_start3A_317 = arith.constant 0 : i32
      %dma_start3A_318 = tpu.memref_slice %arg22[%multiple_of3A_270, %dma_start3A_310, %dma_start3A_317] : memref<204800x10x16xf32, #tpu.memory_space<hbm>> -> memref<128x1x16xf32, #tpu.memory_space<hbm>>
      %dma_start3A_319 = tpu.memref_squeeze %dma_start3A_318 : memref<128x1x16xf32, #tpu.memory_space<hbm>> -> memref<128x16xf32, #tpu.memory_space<hbm>>
      %dma_start3A_320 = arith.constant 384 : i32
      %dma_start3A_321 = arith.constant 0 : i32
      %dma_start3A_322 = tpu.memref_slice %arg24[%dma_start3A_320, %dma_start3A_321] : memref<1280x16xf32, #tpu.memory_space<vmem>> -> memref<128x16xf32, #tpu.memory_space<vmem>>
      tpu.enqueue_dma source(%dma_start3A_322 : memref<128x16xf32, #tpu.memory_space<vmem>>) target(%dma_start3A_319 : memref<128x16xf32, #tpu.memory_space<hbm>>) target_semaphore(%arg28 : memref<!tpu.dma_semaphore, #tpu.memory_space<semaphore_mem>>)
      %dma_start3A_323 = arith.constant 4 : i32
      %dma_start3A_324 = arith.constant 512 : i32
      %dma_start3A_325 = arith.constant 0 : i32
      %dma_start3A_326 = tpu.memref_slice %arg24[%dma_start3A_324, %dma_start3A_325] : memref<1280x16xf32, #tpu.memory_space<vmem>> -> memref<128x16xf32, #tpu.memory_space<vmem>>
      %dma_start3A_327 = arith.constant 0 : i32
      %dma_start3A_328 = tpu.memref_slice %arg22[%multiple_of3A_270, %dma_start3A_323, %dma_start3A_327] : memref<204800x10x16xf32, #tpu.memory_space<hbm>> -> memref<128x1x16xf32, #tpu.memory_space<hbm>>
      %dma_start3A_329 = tpu.memref_squeeze %dma_start3A_328 : memref<128x1x16xf32, #tpu.memory_space<hbm>> -> memref<128x16xf32, #tpu.memory_space<hbm>>
      %dma_start3A_330 = arith.constant 0 : i32
      %dma_start3A_331 = tpu.memref_slice %arg22[%multiple_of3A_270, %dma_start3A_323, %dma_start3A_330] : memref<204800x10x16xf32, #tpu.memory_space<hbm>> -> memref<128x1x16xf32, #tpu.memory_space<hbm>>
      %dma_start3A_332 = tpu.memref_squeeze %dma_start3A_331 : memref<128x1x16xf32, #tpu.memory_space<hbm>> -> memref<128x16xf32, #tpu.memory_space<hbm>>
      %dma_start3A_333 = arith.constant 512 : i32
      %dma_start3A_334 = arith.constant 0 : i32
      %dma_start3A_335 = tpu.memref_slice %arg24[%dma_start3A_333, %dma_start3A_334] : memref<1280x16xf32, #tpu.memory_space<vmem>> -> memref<128x16xf32, #tpu.memory_space<vmem>>
      tpu.enqueue_dma source(%dma_start3A_335 : memref<128x16xf32, #tpu.memory_space<vmem>>) target(%dma_start3A_332 : memref<128x16xf32, #tpu.memory_space<hbm>>) target_semaphore(%arg28 : memref<!tpu.dma_semaphore, #tpu.memory_space<semaphore_mem>>)
      %dma_start3A_336 = arith.constant 5 : i32
      %dma_start3A_337 = arith.constant 640 : i32
      %dma_start3A_338 = arith.constant 0 : i32
      %dma_start3A_339 = tpu.memref_slice %arg24[%dma_start3A_337, %dma_start3A_338] : memref<1280x16xf32, #tpu.memory_space<vmem>> -> memref<128x16xf32, #tpu.memory_space<vmem>>
      %dma_start3A_340 = arith.constant 0 : i32
      %dma_start3A_341 = tpu.memref_slice %arg22[%multiple_of3A_270, %dma_start3A_336, %dma_start3A_340] : memref<204800x10x16xf32, #tpu.memory_space<hbm>> -> memref<128x1x16xf32, #tpu.memory_space<hbm>>
      %dma_start3A_342 = tpu.memref_squeeze %dma_start3A_341 : memref<128x1x16xf32, #tpu.memory_space<hbm>> -> memref<128x16xf32, #tpu.memory_space<hbm>>
      %dma_start3A_343 = arith.constant 0 : i32
      %dma_start3A_344 = tpu.memref_slice %arg22[%multiple_of3A_270, %dma_start3A_336, %dma_start3A_343] : memref<204800x10x16xf32, #tpu.memory_space<hbm>> -> memref<128x1x16xf32, #tpu.memory_space<hbm>>
      %dma_start3A_345 = tpu.memref_squeeze %dma_start3A_344 : memref<128x1x16xf32, #tpu.memory_space<hbm>> -> memref<128x16xf32, #tpu.memory_space<hbm>>
      %dma_start3A_346 = arith.constant 640 : i32
      %dma_start3A_347 = arith.constant 0 : i32
      %dma_start3A_348 = tpu.memref_slice %arg24[%dma_start3A_346, %dma_start3A_347] : memref<1280x16xf32, #tpu.memory_space<vmem>> -> memref<128x16xf32, #tpu.memory_space<vmem>>
      tpu.enqueue_dma source(%dma_start3A_348 : memref<128x16xf32, #tpu.memory_space<vmem>>) target(%dma_start3A_345 : memref<128x16xf32, #tpu.memory_space<hbm>>) target_semaphore(%arg28 : memref<!tpu.dma_semaphore, #tpu.memory_space<semaphore_mem>>)
      %dma_start3A_349 = arith.constant 6 : i32
      %dma_start3A_350 = arith.constant 768 : i32
      %dma_start3A_351 = arith.constant 0 : i32
      %dma_start3A_352 = tpu.memref_slice %arg24[%dma_start3A_350, %dma_start3A_351] : memref<1280x16xf32, #tpu.memory_space<vmem>> -> memref<128x16xf32, #tpu.memory_space<vmem>>
      %dma_start3A_353 = arith.constant 0 : i32
      %dma_start3A_354 = tpu.memref_slice %arg22[%multiple_of3A_270, %dma_start3A_349, %dma_start3A_353] : memref<204800x10x16xf32, #tpu.memory_space<hbm>> -> memref<128x1x16xf32, #tpu.memory_space<hbm>>
      %dma_start3A_355 = tpu.memref_squeeze %dma_start3A_354 : memref<128x1x16xf32, #tpu.memory_space<hbm>> -> memref<128x16xf32, #tpu.memory_space<hbm>>
      %dma_start3A_356 = arith.constant 0 : i32
      %dma_start3A_357 = tpu.memref_slice %arg22[%multiple_of3A_270, %dma_start3A_349, %dma_start3A_356] : memref<204800x10x16xf32, #tpu.memory_space<hbm>> -> memref<128x1x16xf32, #tpu.memory_space<hbm>>
      %dma_start3A_358 = tpu.memref_squeeze %dma_start3A_357 : memref<128x1x16xf32, #tpu.memory_space<hbm>> -> memref<128x16xf32, #tpu.memory_space<hbm>>
      %dma_start3A_359 = arith.constant 768 : i32
      %dma_start3A_360 = arith.constant 0 : i32
      %dma_start3A_361 = tpu.memref_slice %arg24[%dma_start3A_359, %dma_start3A_360] : memref<1280x16xf32, #tpu.memory_space<vmem>> -> memref<128x16xf32, #tpu.memory_space<vmem>>
      tpu.enqueue_dma source(%dma_start3A_361 : memref<128x16xf32, #tpu.memory_space<vmem>>) target(%dma_start3A_358 : memref<128x16xf32, #tpu.memory_space<hbm>>) target_semaphore(%arg28 : memref<!tpu.dma_semaphore, #tpu.memory_space<semaphore_mem>>)
      %dma_start3A_362 = arith.constant 7 : i32
      %dma_start3A_363 = arith.constant 896 : i32
      %dma_start3A_364 = arith.constant 0 : i32
      %dma_start3A_365 = tpu.memref_slice %arg24[%dma_start3A_363, %dma_start3A_364] : memref<1280x16xf32, #tpu.memory_space<vmem>> -> memref<128x16xf32, #tpu.memory_space<vmem>>
      %dma_start3A_366 = arith.constant 0 : i32
      %dma_start3A_367 = tpu.memref_slice %arg22[%multiple_of3A_270, %dma_start3A_362, %dma_start3A_366] : memref<204800x10x16xf32, #tpu.memory_space<hbm>> -> memref<128x1x16xf32, #tpu.memory_space<hbm>>
      %dma_start3A_368 = tpu.memref_squeeze %dma_start3A_367 : memref<128x1x16xf32, #tpu.memory_space<hbm>> -> memref<128x16xf32, #tpu.memory_space<hbm>>
      %dma_start3A_369 = arith.constant 0 : i32
      %dma_start3A_370 = tpu.memref_slice %arg22[%multiple_of3A_270, %dma_start3A_362, %dma_start3A_369] : memref<204800x10x16xf32, #tpu.memory_space<hbm>> -> memref<128x1x16xf32, #tpu.memory_space<hbm>>
      %dma_start3A_371 = tpu.memref_squeeze %dma_start3A_370 : memref<128x1x16xf32, #tpu.memory_space<hbm>> -> memref<128x16xf32, #tpu.memory_space<hbm>>
      %dma_start3A_372 = arith.constant 896 : i32
      %dma_start3A_373 = arith.constant 0 : i32
      %dma_start3A_374 = tpu.memref_slice %arg24[%dma_start3A_372, %dma_start3A_373] : memref<1280x16xf32, #tpu.memory_space<vmem>> -> memref<128x16xf32, #tpu.memory_space<vmem>>
      tpu.enqueue_dma source(%dma_start3A_374 : memref<128x16xf32, #tpu.memory_space<vmem>>) target(%dma_start3A_371 : memref<128x16xf32, #tpu.memory_space<hbm>>) target_semaphore(%arg28 : memref<!tpu.dma_semaphore, #tpu.memory_space<semaphore_mem>>)
      %dma_start3A_375 = arith.constant 8 : i32
      %dma_start3A_376 = arith.constant 1024 : i32
      %dma_start3A_377 = arith.constant 0 : i32
      %dma_start3A_378 = tpu.memref_slice %arg24[%dma_start3A_376, %dma_start3A_377] : memref<1280x16xf32, #tpu.memory_space<vmem>> -> memref<128x16xf32, #tpu.memory_space<vmem>>
      %dma_start3A_379 = arith.constant 0 : i32
      %dma_start3A_380 = tpu.memref_slice %arg22[%multiple_of3A_270, %dma_start3A_375, %dma_start3A_379] : memref<204800x10x16xf32, #tpu.memory_space<hbm>> -> memref<128x1x16xf32, #tpu.memory_space<hbm>>
      %dma_start3A_381 = tpu.memref_squeeze %dma_start3A_380 : memref<128x1x16xf32, #tpu.memory_space<hbm>> -> memref<128x16xf32, #tpu.memory_space<hbm>>
      %dma_start3A_382 = arith.constant 0 : i32
      %dma_start3A_383 = tpu.memref_slice %arg22[%multiple_of3A_270, %dma_start3A_375, %dma_start3A_382] : memref<204800x10x16xf32, #tpu.memory_space<hbm>> -> memref<128x1x16xf32, #tpu.memory_space<hbm>>
      %dma_start3A_384 = tpu.memref_squeeze %dma_start3A_383 : memref<128x1x16xf32, #tpu.memory_space<hbm>> -> memref<128x16xf32, #tpu.memory_space<hbm>>
      %dma_start3A_385 = arith.constant 1024 : i32
      %dma_start3A_386 = arith.constant 0 : i32
      %dma_start3A_387 = tpu.memref_slice %arg24[%dma_start3A_385, %dma_start3A_386] : memref<1280x16xf32, #tpu.memory_space<vmem>> -> memref<128x16xf32, #tpu.memory_space<vmem>>
      tpu.enqueue_dma source(%dma_start3A_387 : memref<128x16xf32, #tpu.memory_space<vmem>>) target(%dma_start3A_384 : memref<128x16xf32, #tpu.memory_space<hbm>>) target_semaphore(%arg28 : memref<!tpu.dma_semaphore, #tpu.memory_space<semaphore_mem>>)
      %dma_start3A_388 = arith.constant 9 : i32
      %dma_start3A_389 = arith.constant 1152 : i32
      %dma_start3A_390 = arith.constant 0 : i32
      %dma_start3A_391 = tpu.memref_slice %arg24[%dma_start3A_389, %dma_start3A_390] : memref<1280x16xf32, #tpu.memory_space<vmem>> -> memref<128x16xf32, #tpu.memory_space<vmem>>
      %dma_start3A_392 = arith.constant 0 : i32
      %dma_start3A_393 = tpu.memref_slice %arg22[%multiple_of3A_270, %dma_start3A_388, %dma_start3A_392] : memref<204800x10x16xf32, #tpu.memory_space<hbm>> -> memref<128x1x16xf32, #tpu.memory_space<hbm>>
      %dma_start3A_394 = tpu.memref_squeeze %dma_start3A_393 : memref<128x1x16xf32, #tpu.memory_space<hbm>> -> memref<128x16xf32, #tpu.memory_space<hbm>>
      %dma_start3A_395 = arith.constant 0 : i32
      %dma_start3A_396 = tpu.memref_slice %arg22[%multiple_of3A_270, %dma_start3A_388, %dma_start3A_395] : memref<204800x10x16xf32, #tpu.memory_space<hbm>> -> memref<128x1x16xf32, #tpu.memory_space<hbm>>
      %dma_start3A_397 = tpu.memref_squeeze %dma_start3A_396 : memref<128x1x16xf32, #tpu.memory_space<hbm>> -> memref<128x16xf32, #tpu.memory_space<hbm>>
      %dma_start3A_398 = arith.constant 1152 : i32
      %dma_start3A_399 = arith.constant 0 : i32
      %dma_start3A_400 = tpu.memref_slice %arg24[%dma_start3A_398, %dma_start3A_399] : memref<1280x16xf32, #tpu.memory_space<vmem>> -> memref<128x16xf32, #tpu.memory_space<vmem>>
      tpu.enqueue_dma source(%dma_start3A_400 : memref<128x16xf32, #tpu.memory_space<vmem>>) target(%dma_start3A_397 : memref<128x16xf32, #tpu.memory_space<hbm>>) target_semaphore(%arg28 : memref<!tpu.dma_semaphore, #tpu.memory_space<semaphore_mem>>)
      %dma_wait3A_401 = arith.constant 0 : i32
      %dma_wait3A_402 = arith.constant 0 : i32
      %dma_wait3A_403 = tpu.memref_slice %arg12[%dma_wait3A_401, %dma_wait3A_402] : memref<1000000x16xf32, #tpu.memory_space<hbm>> -> memref<1280x16xf32, #tpu.memory_space<hbm>>
      %dma_wait3A_404 = arith.constant 0 : i32
      %dma_wait3A_405 = arith.constant 0 : i32
      %dma_wait3A_406 = tpu.memref_slice %arg12[%dma_wait3A_404, %dma_wait3A_405] : memref<1000000x16xf32, #tpu.memory_space<hbm>> -> memref<1280x16xf32, #tpu.memory_space<hbm>>
      tpu.wait_dma2 semaphore(%arg27 : memref<!tpu.dma_semaphore, #tpu.memory_space<semaphore_mem>>) src(%dma_wait3A_406 : memref<1280x16xf32, #tpu.memory_space<hbm>>) dst(%arg24 : memref<1280x16xf32, #tpu.memory_space<vmem>>)
      %add3A_407 = arith.constant 1 : i32
      %add3A_408 = arith.addi %mul3A_30, %add3A_407 : i32
      %mul3A_409 = arith.constant 6400 : i32
      %mul3A_410 = arith.muli %add3A, %mul3A_409 : i32
      %mul3A_411 = arith.constant 128 : i32
      %mul3A_412 = arith.muli %add3A_408, %mul3A_411 : i32
      %add3A_413 = arith.addi %mul3A_410, %mul3A_412 : i32
      %multiple_of3A_414 = tpu.assume_multiple %add3A_413, 8 : i32
      %dma_start3A_415 = arith.constant 0 : i32
      %dma_start3A_416 = arith.constant 0 : i32
      %dma_start3A_417 = arith.constant 0 : i32
      %dma_start3A_418 = tpu.memref_slice %arg25[%dma_start3A_416, %dma_start3A_417] : memref<1280x16xf32, #tpu.memory_space<vmem>> -> memref<128x16xf32, #tpu.memory_space<vmem>>
      %dma_start3A_419 = arith.constant 0 : i32
      %dma_start3A_420 = tpu.memref_slice %arg22[%multiple_of3A_414, %dma_start3A_415, %dma_start3A_419] : memref<204800x10x16xf32, #tpu.memory_space<hbm>> -> memref<128x1x16xf32, #tpu.memory_space<hbm>>
      %dma_start3A_421 = tpu.memref_squeeze %dma_start3A_420 : memref<128x1x16xf32, #tpu.memory_space<hbm>> -> memref<128x16xf32, #tpu.memory_space<hbm>>
      %dma_start3A_422 = arith.constant 0 : i32
      %dma_start3A_423 = tpu.memref_slice %arg22[%multiple_of3A_414, %dma_start3A_415, %dma_start3A_422] : memref<204800x10x16xf32, #tpu.memory_space<hbm>> -> memref<128x1x16xf32, #tpu.memory_space<hbm>>
      %dma_start3A_424 = tpu.memref_squeeze %dma_start3A_423 : memref<128x1x16xf32, #tpu.memory_space<hbm>> -> memref<128x16xf32, #tpu.memory_space<hbm>>
      %dma_start3A_425 = arith.constant 0 : i32
      %dma_start3A_426 = arith.constant 0 : i32
      %dma_start3A_427 = tpu.memref_slice %arg25[%dma_start3A_425, %dma_start3A_426] : memref<1280x16xf32, #tpu.memory_space<vmem>> -> memref<128x16xf32, #tpu.memory_space<vmem>>
      tpu.enqueue_dma source(%dma_start3A_427 : memref<128x16xf32, #tpu.memory_space<vmem>>) target(%dma_start3A_424 : memref<128x16xf32, #tpu.memory_space<hbm>>) target_semaphore(%arg29 : memref<!tpu.dma_semaphore, #tpu.memory_space<semaphore_mem>>)
      %dma_start3A_428 = arith.constant 1 : i32
      %dma_start3A_429 = arith.constant 128 : i32
      %dma_start3A_430 = arith.constant 0 : i32
      %dma_start3A_431 = tpu.memref_slice %arg25[%dma_start3A_429, %dma_start3A_430] : memref<1280x16xf32, #tpu.memory_space<vmem>> -> memref<128x16xf32, #tpu.memory_space<vmem>>
      %dma_start3A_432 = arith.constant 0 : i32
      %dma_start3A_433 = tpu.memref_slice %arg22[%multiple_of3A_414, %dma_start3A_428, %dma_start3A_432] : memref<204800x10x16xf32, #tpu.memory_space<hbm>> -> memref<128x1x16xf32, #tpu.memory_space<hbm>>
      %dma_start3A_434 = tpu.memref_squeeze %dma_start3A_433 : memref<128x1x16xf32, #tpu.memory_space<hbm>> -> memref<128x16xf32, #tpu.memory_space<hbm>>
      %dma_start3A_435 = arith.constant 0 : i32
      %dma_start3A_436 = tpu.memref_slice %arg22[%multiple_of3A_414, %dma_start3A_428, %dma_start3A_435] : memref<204800x10x16xf32, #tpu.memory_space<hbm>> -> memref<128x1x16xf32, #tpu.memory_space<hbm>>
      %dma_start3A_437 = tpu.memref_squeeze %dma_start3A_436 : memref<128x1x16xf32, #tpu.memory_space<hbm>> -> memref<128x16xf32, #tpu.memory_space<hbm>>
      %dma_start3A_438 = arith.constant 128 : i32
      %dma_start3A_439 = arith.constant 0 : i32
      %dma_start3A_440 = tpu.memref_slice %arg25[%dma_start3A_438, %dma_start3A_439] : memref<1280x16xf32, #tpu.memory_space<vmem>> -> memref<128x16xf32, #tpu.memory_space<vmem>>
      tpu.enqueue_dma source(%dma_start3A_440 : memref<128x16xf32, #tpu.memory_space<vmem>>) target(%dma_start3A_437 : memref<128x16xf32, #tpu.memory_space<hbm>>) target_semaphore(%arg29 : memref<!tpu.dma_semaphore, #tpu.memory_space<semaphore_mem>>)
      %dma_start3A_441 = arith.constant 2 : i32
      %dma_start3A_442 = arith.constant 256 : i32
      %dma_start3A_443 = arith.constant 0 : i32
      %dma_start3A_444 = tpu.memref_slice %arg25[%dma_start3A_442, %dma_start3A_443] : memref<1280x16xf32, #tpu.memory_space<vmem>> -> memref<128x16xf32, #tpu.memory_space<vmem>>
      %dma_start3A_445 = arith.constant 0 : i32
      %dma_start3A_446 = tpu.memref_slice %arg22[%multiple_of3A_414, %dma_start3A_441, %dma_start3A_445] : memref<204800x10x16xf32, #tpu.memory_space<hbm>> -> memref<128x1x16xf32, #tpu.memory_space<hbm>>
      %dma_start3A_447 = tpu.memref_squeeze %dma_start3A_446 : memref<128x1x16xf32, #tpu.memory_space<hbm>> -> memref<128x16xf32, #tpu.memory_space<hbm>>
      %dma_start3A_448 = arith.constant 0 : i32
      %dma_start3A_449 = tpu.memref_slice %arg22[%multiple_of3A_414, %dma_start3A_441, %dma_start3A_448] : memref<204800x10x16xf32, #tpu.memory_space<hbm>> -> memref<128x1x16xf32, #tpu.memory_space<hbm>>
      %dma_start3A_450 = tpu.memref_squeeze %dma_start3A_449 : memref<128x1x16xf32, #tpu.memory_space<hbm>> -> memref<128x16xf32, #tpu.memory_space<hbm>>
      %dma_start3A_451 = arith.constant 256 : i32
      %dma_start3A_452 = arith.constant 0 : i32
      %dma_start3A_453 = tpu.memref_slice %arg25[%dma_start3A_451, %dma_start3A_452] : memref<1280x16xf32, #tpu.memory_space<vmem>> -> memref<128x16xf32, #tpu.memory_space<vmem>>
      tpu.enqueue_dma source(%dma_start3A_453 : memref<128x16xf32, #tpu.memory_space<vmem>>) target(%dma_start3A_450 : memref<128x16xf32, #tpu.memory_space<hbm>>) target_semaphore(%arg29 : memref<!tpu.dma_semaphore, #tpu.memory_space<semaphore_mem>>)
      %dma_start3A_454 = arith.constant 3 : i32
      %dma_start3A_455 = arith.constant 384 : i32
      %dma_start3A_456 = arith.constant 0 : i32
      %dma_start3A_457 = tpu.memref_slice %arg25[%dma_start3A_455, %dma_start3A_456] : memref<1280x16xf32, #tpu.memory_space<vmem>> -> memref<128x16xf32, #tpu.memory_space<vmem>>
      %dma_start3A_458 = arith.constant 0 : i32
      %dma_start3A_459 = tpu.memref_slice %arg22[%multiple_of3A_414, %dma_start3A_454, %dma_start3A_458] : memref<204800x10x16xf32, #tpu.memory_space<hbm>> -> memref<128x1x16xf32, #tpu.memory_space<hbm>>
      %dma_start3A_460 = tpu.memref_squeeze %dma_start3A_459 : memref<128x1x16xf32, #tpu.memory_space<hbm>> -> memref<128x16xf32, #tpu.memory_space<hbm>>
      %dma_start3A_461 = arith.constant 0 : i32
      %dma_start3A_462 = tpu.memref_slice %arg22[%multiple_of3A_414, %dma_start3A_454, %dma_start3A_461] : memref<204800x10x16xf32, #tpu.memory_space<hbm>> -> memref<128x1x16xf32, #tpu.memory_space<hbm>>
      %dma_start3A_463 = tpu.memref_squeeze %dma_start3A_462 : memref<128x1x16xf32, #tpu.memory_space<hbm>> -> memref<128x16xf32, #tpu.memory_space<hbm>>
      %dma_start3A_464 = arith.constant 384 : i32
      %dma_start3A_465 = arith.constant 0 : i32
      %dma_start3A_466 = tpu.memref_slice %arg25[%dma_start3A_464, %dma_start3A_465] : memref<1280x16xf32, #tpu.memory_space<vmem>> -> memref<128x16xf32, #tpu.memory_space<vmem>>
      tpu.enqueue_dma source(%dma_start3A_466 : memref<128x16xf32, #tpu.memory_space<vmem>>) target(%dma_start3A_463 : memref<128x16xf32, #tpu.memory_space<hbm>>) target_semaphore(%arg29 : memref<!tpu.dma_semaphore, #tpu.memory_space<semaphore_mem>>)
      %dma_start3A_467 = arith.constant 4 : i32
      %dma_start3A_468 = arith.constant 512 : i32
      %dma_start3A_469 = arith.constant 0 : i32
      %dma_start3A_470 = tpu.memref_slice %arg25[%dma_start3A_468, %dma_start3A_469] : memref<1280x16xf32, #tpu.memory_space<vmem>> -> memref<128x16xf32, #tpu.memory_space<vmem>>
      %dma_start3A_471 = arith.constant 0 : i32
      %dma_start3A_472 = tpu.memref_slice %arg22[%multiple_of3A_414, %dma_start3A_467, %dma_start3A_471] : memref<204800x10x16xf32, #tpu.memory_space<hbm>> -> memref<128x1x16xf32, #tpu.memory_space<hbm>>
      %dma_start3A_473 = tpu.memref_squeeze %dma_start3A_472 : memref<128x1x16xf32, #tpu.memory_space<hbm>> -> memref<128x16xf32, #tpu.memory_space<hbm>>
      %dma_start3A_474 = arith.constant 0 : i32
      %dma_start3A_475 = tpu.memref_slice %arg22[%multiple_of3A_414, %dma_start3A_467, %dma_start3A_474] : memref<204800x10x16xf32, #tpu.memory_space<hbm>> -> memref<128x1x16xf32, #tpu.memory_space<hbm>>
      %dma_start3A_476 = tpu.memref_squeeze %dma_start3A_475 : memref<128x1x16xf32, #tpu.memory_space<hbm>> -> memref<128x16xf32, #tpu.memory_space<hbm>>
      %dma_start3A_477 = arith.constant 512 : i32
      %dma_start3A_478 = arith.constant 0 : i32
      %dma_start3A_479 = tpu.memref_slice %arg25[%dma_start3A_477, %dma_start3A_478] : memref<1280x16xf32, #tpu.memory_space<vmem>> -> memref<128x16xf32, #tpu.memory_space<vmem>>
      tpu.enqueue_dma source(%dma_start3A_479 : memref<128x16xf32, #tpu.memory_space<vmem>>) target(%dma_start3A_476 : memref<128x16xf32, #tpu.memory_space<hbm>>) target_semaphore(%arg29 : memref<!tpu.dma_semaphore, #tpu.memory_space<semaphore_mem>>)
      %dma_start3A_480 = arith.constant 5 : i32
      %dma_start3A_481 = arith.constant 640 : i32
      %dma_start3A_482 = arith.constant 0 : i32
      %dma_start3A_483 = tpu.memref_slice %arg25[%dma_start3A_481, %dma_start3A_482] : memref<1280x16xf32, #tpu.memory_space<vmem>> -> memref<128x16xf32, #tpu.memory_space<vmem>>
      %dma_start3A_484 = arith.constant 0 : i32
      %dma_start3A_485 = tpu.memref_slice %arg22[%multiple_of3A_414, %dma_start3A_480, %dma_start3A_484] : memref<204800x10x16xf32, #tpu.memory_space<hbm>> -> memref<128x1x16xf32, #tpu.memory_space<hbm>>
      %dma_start3A_486 = tpu.memref_squeeze %dma_start3A_485 : memref<128x1x16xf32, #tpu.memory_space<hbm>> -> memref<128x16xf32, #tpu.memory_space<hbm>>
      %dma_start3A_487 = arith.constant 0 : i32
      %dma_start3A_488 = tpu.memref_slice %arg22[%multiple_of3A_414, %dma_start3A_480, %dma_start3A_487] : memref<204800x10x16xf32, #tpu.memory_space<hbm>> -> memref<128x1x16xf32, #tpu.memory_space<hbm>>
      %dma_start3A_489 = tpu.memref_squeeze %dma_start3A_488 : memref<128x1x16xf32, #tpu.memory_space<hbm>> -> memref<128x16xf32, #tpu.memory_space<hbm>>
      %dma_start3A_490 = arith.constant 640 : i32
      %dma_start3A_491 = arith.constant 0 : i32
      %dma_start3A_492 = tpu.memref_slice %arg25[%dma_start3A_490, %dma_start3A_491] : memref<1280x16xf32, #tpu.memory_space<vmem>> -> memref<128x16xf32, #tpu.memory_space<vmem>>
      tpu.enqueue_dma source(%dma_start3A_492 : memref<128x16xf32, #tpu.memory_space<vmem>>) target(%dma_start3A_489 : memref<128x16xf32, #tpu.memory_space<hbm>>) target_semaphore(%arg29 : memref<!tpu.dma_semaphore, #tpu.memory_space<semaphore_mem>>)
      %dma_start3A_493 = arith.constant 6 : i32
      %dma_start3A_494 = arith.constant 768 : i32
      %dma_start3A_495 = arith.constant 0 : i32
      %dma_start3A_496 = tpu.memref_slice %arg25[%dma_start3A_494, %dma_start3A_495] : memref<1280x16xf32, #tpu.memory_space<vmem>> -> memref<128x16xf32, #tpu.memory_space<vmem>>
      %dma_start3A_497 = arith.constant 0 : i32
      %dma_start3A_498 = tpu.memref_slice %arg22[%multiple_of3A_414, %dma_start3A_493, %dma_start3A_497] : memref<204800x10x16xf32, #tpu.memory_space<hbm>> -> memref<128x1x16xf32, #tpu.memory_space<hbm>>
      %dma_start3A_499 = tpu.memref_squeeze %dma_start3A_498 : memref<128x1x16xf32, #tpu.memory_space<hbm>> -> memref<128x16xf32, #tpu.memory_space<hbm>>
      %dma_start3A_500 = arith.constant 0 : i32
      %dma_start3A_501 = tpu.memref_slice %arg22[%multiple_of3A_414, %dma_start3A_493, %dma_start3A_500] : memref<204800x10x16xf32, #tpu.memory_space<hbm>> -> memref<128x1x16xf32, #tpu.memory_space<hbm>>
      %dma_start3A_502 = tpu.memref_squeeze %dma_start3A_501 : memref<128x1x16xf32, #tpu.memory_space<hbm>> -> memref<128x16xf32, #tpu.memory_space<hbm>>
      %dma_start3A_503 = arith.constant 768 : i32
      %dma_start3A_504 = arith.constant 0 : i32
      %dma_start3A_505 = tpu.memref_slice %arg25[%dma_start3A_503, %dma_start3A_504] : memref<1280x16xf32, #tpu.memory_space<vmem>> -> memref<128x16xf32, #tpu.memory_space<vmem>>
      tpu.enqueue_dma source(%dma_start3A_505 : memref<128x16xf32, #tpu.memory_space<vmem>>) target(%dma_start3A_502 : memref<128x16xf32, #tpu.memory_space<hbm>>) target_semaphore(%arg29 : memref<!tpu.dma_semaphore, #tpu.memory_space<semaphore_mem>>)
      %dma_start3A_506 = arith.constant 7 : i32
      %dma_start3A_507 = arith.constant 896 : i32
      %dma_start3A_508 = arith.constant 0 : i32
      %dma_start3A_509 = tpu.memref_slice %arg25[%dma_start3A_507, %dma_start3A_508] : memref<1280x16xf32, #tpu.memory_space<vmem>> -> memref<128x16xf32, #tpu.memory_space<vmem>>
      %dma_start3A_510 = arith.constant 0 : i32
      %dma_start3A_511 = tpu.memref_slice %arg22[%multiple_of3A_414, %dma_start3A_506, %dma_start3A_510] : memref<204800x10x16xf32, #tpu.memory_space<hbm>> -> memref<128x1x16xf32, #tpu.memory_space<hbm>>
      %dma_start3A_512 = tpu.memref_squeeze %dma_start3A_511 : memref<128x1x16xf32, #tpu.memory_space<hbm>> -> memref<128x16xf32, #tpu.memory_space<hbm>>
      %dma_start3A_513 = arith.constant 0 : i32
      %dma_start3A_514 = tpu.memref_slice %arg22[%multiple_of3A_414, %dma_start3A_506, %dma_start3A_513] : memref<204800x10x16xf32, #tpu.memory_space<hbm>> -> memref<128x1x16xf32, #tpu.memory_space<hbm>>
      %dma_start3A_515 = tpu.memref_squeeze %dma_start3A_514 : memref<128x1x16xf32, #tpu.memory_space<hbm>> -> memref<128x16xf32, #tpu.memory_space<hbm>>
      %dma_start3A_516 = arith.constant 896 : i32
      %dma_start3A_517 = arith.constant 0 : i32
      %dma_start3A_518 = tpu.memref_slice %arg25[%dma_start3A_516, %dma_start3A_517] : memref<1280x16xf32, #tpu.memory_space<vmem>> -> memref<128x16xf32, #tpu.memory_space<vmem>>
      tpu.enqueue_dma source(%dma_start3A_518 : memref<128x16xf32, #tpu.memory_space<vmem>>) target(%dma_start3A_515 : memref<128x16xf32, #tpu.memory_space<hbm>>) target_semaphore(%arg29 : memref<!tpu.dma_semaphore, #tpu.memory_space<semaphore_mem>>)
      %dma_start3A_519 = arith.constant 8 : i32
      %dma_start3A_520 = arith.constant 1024 : i32
      %dma_start3A_521 = arith.constant 0 : i32
      %dma_start3A_522 = tpu.memref_slice %arg25[%dma_start3A_520, %dma_start3A_521] : memref<1280x16xf32, #tpu.memory_space<vmem>> -> memref<128x16xf32, #tpu.memory_space<vmem>>
      %dma_start3A_523 = arith.constant 0 : i32
      %dma_start3A_524 = tpu.memref_slice %arg22[%multiple_of3A_414, %dma_start3A_519, %dma_start3A_523] : memref<204800x10x16xf32, #tpu.memory_space<hbm>> -> memref<128x1x16xf32, #tpu.memory_space<hbm>>
      %dma_start3A_525 = tpu.memref_squeeze %dma_start3A_524 : memref<128x1x16xf32, #tpu.memory_space<hbm>> -> memref<128x16xf32, #tpu.memory_space<hbm>>
      %dma_start3A_526 = arith.constant 0 : i32
      %dma_start3A_527 = tpu.memref_slice %arg22[%multiple_of3A_414, %dma_start3A_519, %dma_start3A_526] : memref<204800x10x16xf32, #tpu.memory_space<hbm>> -> memref<128x1x16xf32, #tpu.memory_space<hbm>>
      %dma_start3A_528 = tpu.memref_squeeze %dma_start3A_527 : memref<128x1x16xf32, #tpu.memory_space<hbm>> -> memref<128x16xf32, #tpu.memory_space<hbm>>
      %dma_start3A_529 = arith.constant 1024 : i32
      %dma_start3A_530 = arith.constant 0 : i32
      %dma_start3A_531 = tpu.memref_slice %arg25[%dma_start3A_529, %dma_start3A_530] : memref<1280x16xf32, #tpu.memory_space<vmem>> -> memref<128x16xf32, #tpu.memory_space<vmem>>
      tpu.enqueue_dma source(%dma_start3A_531 : memref<128x16xf32, #tpu.memory_space<vmem>>) target(%dma_start3A_528 : memref<128x16xf32, #tpu.memory_space<hbm>>) target_semaphore(%arg29 : memref<!tpu.dma_semaphore, #tpu.memory_space<semaphore_mem>>)
      %dma_start3A_532 = arith.constant 9 : i32
      %dma_start3A_533 = arith.constant 1152 : i32
      %dma_start3A_534 = arith.constant 0 : i32
      %dma_start3A_535 = tpu.memref_slice %arg25[%dma_start3A_533, %dma_start3A_534] : memref<1280x16xf32, #tpu.memory_space<vmem>> -> memref<128x16xf32, #tpu.memory_space<vmem>>
      %dma_start3A_536 = arith.constant 0 : i32
      %dma_start3A_537 = tpu.memref_slice %arg22[%multiple_of3A_414, %dma_start3A_532, %dma_start3A_536] : memref<204800x10x16xf32, #tpu.memory_space<hbm>> -> memref<128x1x16xf32, #tpu.memory_space<hbm>>
      %dma_start3A_538 = tpu.memref_squeeze %dma_start3A_537 : memref<128x1x16xf32, #tpu.memory_space<hbm>> -> memref<128x16xf32, #tpu.memory_space<hbm>>
      %dma_start3A_539 = arith.constant 0 : i32
      %dma_start3A_540 = tpu.memref_slice %arg22[%multiple_of3A_414, %dma_start3A_532, %dma_start3A_539] : memref<204800x10x16xf32, #tpu.memory_space<hbm>> -> memref<128x1x16xf32, #tpu.memory_space<hbm>>
      %dma_start3A_541 = tpu.memref_squeeze %dma_start3A_540 : memref<128x1x16xf32, #tpu.memory_space<hbm>> -> memref<128x16xf32, #tpu.memory_space<hbm>>
      %dma_start3A_542 = arith.constant 1152 : i32
      %dma_start3A_543 = arith.constant 0 : i32
      %dma_start3A_544 = tpu.memref_slice %arg25[%dma_start3A_542, %dma_start3A_543] : memref<1280x16xf32, #tpu.memory_space<vmem>> -> memref<128x16xf32, #tpu.memory_space<vmem>>
      tpu.enqueue_dma source(%dma_start3A_544 : memref<128x16xf32, #tpu.memory_space<vmem>>) target(%dma_start3A_541 : memref<128x16xf32, #tpu.memory_space<hbm>>) target_semaphore(%arg29 : memref<!tpu.dma_semaphore, #tpu.memory_space<semaphore_mem>>)
    }
    %scan3A_16 = arith.constant 25 : i32
    %dma_wait3A = arith.constant 0 : i32
    %dma_wait3A_17 = arith.constant 0 : i32
    %dma_wait3A_18 = tpu.memref_slice %arg12[%dma_wait3A, %dma_wait3A_17] : memref<1000000x16xf32, #tpu.memory_space<hbm>> -> memref<1280x16xf32, #tpu.memory_space<hbm>>
    %dma_wait3A_19 = arith.constant 0 : i32
    %dma_wait3A_20 = arith.constant 0 : i32
    %dma_wait3A_21 = tpu.memref_slice %arg12[%dma_wait3A_19, %dma_wait3A_20] : memref<1000000x16xf32, #tpu.memory_space<hbm>> -> memref<1280x16xf32, #tpu.memory_space<hbm>>
    tpu.wait_dma2 semaphore(%arg28 : memref<!tpu.dma_semaphore, #tpu.memory_space<semaphore_mem>>) src(%dma_wait3A_21 : memref<1280x16xf32, #tpu.memory_space<hbm>>) dst(%arg24 : memref<1280x16xf32, #tpu.memory_space<vmem>>)
    %dma_wait3A_22 = arith.constant 0 : i32
    %dma_wait3A_23 = arith.constant 0 : i32
    %dma_wait3A_24 = tpu.memref_slice %arg12[%dma_wait3A_22, %dma_wait3A_23] : memref<1000000x16xf32, #tpu.memory_space<hbm>> -> memref<1280x16xf32, #tpu.memory_space<hbm>>
    %dma_wait3A_25 = arith.constant 0 : i32
    %dma_wait3A_26 = arith.constant 0 : i32
    %dma_wait3A_27 = tpu.memref_slice %arg12[%dma_wait3A_25, %dma_wait3A_26] : memref<1000000x16xf32, #tpu.memory_space<hbm>> -> memref<1280x16xf32, #tpu.memory_space<hbm>>
    tpu.wait_dma2 semaphore(%arg29 : memref<!tpu.dma_semaphore, #tpu.memory_space<semaphore_mem>>) src(%dma_wait3A_27 : memref<1280x16xf32, #tpu.memory_space<hbm>>) dst(%arg24 : memref<1280x16xf32, #tpu.memory_space<vmem>>)
    return
  }
}

</mosaic_0001>

<sc_bundles>
// kernel: kernel.3.cloned.1.call-start
scs
__scs_entry_jumppad:
0x0: {  	(pc) =	sbr.rel $0x88, $3  }
0x1: {  	(tag) =	ssettag $0x0;
	lr =	simm.s32 $0x1  }
0x2: {  	[smem:$0x3F8D] =	sst lr;
	_ =	strace $0xD0000000  }
0x3: {  	_ = 	snop  }
0x4: {  	_ = 	snop  }
0x5: {  	_ = 	snop  }
0x6: {  	_ = 	snop  }
0x7: {  	_ = 	snop  }
__scs_overlays_trampoline_lowered:
0x8: {  	[smem:$0x3F9C] =	sst s0  }
0x9: {  	[smem:$0x3F9D] =	sst s1  }
0xa: {  	[smem:$0x3F9E] =	sst s2  }
0xb: {  	[smem:$0x3F9F] =	sst s3  }
0xc: {  	[smem:$0x3FA0] =	sst s4  }
0xd: {  	[smem:$0x3FA1] =	sst s5  }
0xe: {  	[smem:$0x3FA2] =	sst s6  }
0xf: {  	[smem:$0x3FA3] =	sst s7  }
0x10: {  	[smem:$0x3FA4] =	sst s8  }
0x11: {  	[smem:$0x3FA5] =	sst s9;
	s0 =	simm.s32 @!p0 $0x0  }
0x12: {  	s1 =	sld [smem:$0x3F8B];
	s0 =	simm.s32 @p0 $0x1  }
0x13: {  	[smem:$0x3FA6] =	sst s0;
	s0 =	simm.s32 @!p1 $0x0  }
0x14: {  	s2 =	sld [smem:$0x3F8A];
	s0 =	simm.s32 @p1 $0x1  }
0x15: {  	[smem:$0x3FA7] =	sst s0;
	s0 =	simm.s32 @!p2 $0x0  }
0x16: {  	s3 =	sld [smem:$0x3FDB];
	s0 =	simm.s32 @p2 $0x1  }
0x17: {  	s4 =	simm.s32 $0x1BF5;
	[smem:$0x3FA9] =	sst s0  }
0x18: {  	s0 =	sld [smem:$0x3F8C];
	_ =	swait.ge [sflag:s4], $0x0  }
0x19: {  	s7 =	sld [smem:$0x3F8D]  }
0x1a: {  	s8 =	sadd.s32 $0xFFFFE003, lr  }
0x1b: {  	s9 =	sadd.s32 $0xFFFFFEF7, lr;
	s5 =	simm.s32 $0xFFFFFFFF;
	p2 =	slt.u32 s8, $0xFFFFF086  }
0x1c: {  	p1 =	slt.u32 s9, $0xF7A;
	s5 =	simm.s32 @!p2 $0x0  }
0x1d: {  	s5 =	simm.s32 @p1 $0x1;
	p0 =	seq.s32 s7, s2  }
0x1e: {  	s7 =	smul.u32 @!p0 $0xF7A, s2;
	p2 =	seq.s32 @!p0 s5, $0x0  }
0x1f: {  	s9 =	smul.u32 $0xF7A, s1;
	s8 =	simm.s32 @!p0 $0x1BF5;
	p2 =	por !p2, p0  }
0x20: {  	[sflag:s8] =	ssyncset.s32 @!p0 $0xFFFFF086;
	s6 =	sadd.s32 @!p0 s3, s7;
	s7 =	simm.s32 @!p0 $0x108  }
0x21: {  	s3 =	sadd.s32 s3, s9;
	s6 =	sadd.s32 @!p0 $0x88, s6;
	s7 =	simm.s32 @p2 $0x1082  }
0x22: {  	[simem:s7], [sflag:s8] =	dma.local @!p0 [hbm:s6], $0xF7A  }
0x23: {  	s9 =	sor.u32 $0xD0000000, s2;
	s6 =	simm.s32 $0x108;
	_ =	swait.ge @!p0 [sflag:s8], $0x0  }
0x24: {  	s3 =	sadd.s32 $0x88, s3;
	s6 =	simm.s32 @!p1 $0x1082;
	[sflag:s4] =	ssyncset.s32 $0xFFFFF086  }
0x25: {  	[simem:s6], [sflag:s4] =	dma.local [hbm:s3], $0xF7A  }
0x26: {  	[smem:$0x3F8D] =	sst s1;
	(tag) =	ssettag s2;
	_ =	strace s9  }
0x27: {  	s1 =	sld [smem:$0x3F9D]  }
0x28: {  	s2 =	sld [smem:$0x3F9E]  }
0x29: {  	s4 =	sld [smem:$0x3FA0]  }
0x2a: {  	p0 =	seq.s32 s5, $0x0;
	s5 =	sld [smem:$0x3FA1]  }
0x2b: {  	s6 =	sld [smem:$0x3FA2]  }
0x2c: {  	s7 =	sld [smem:$0x3FA3]  }
0x2d: {  	s3 =	simm.s32 $0x108;
	s8 =	sld [smem:$0x3FA4]  }
0x2e: {  	s3 =	simm.s32 @!p0 $0x1082;
	s9 =	sld [smem:$0x3FA5]  }
0x2f: {  	lr =	sadd.s32 s0, s3;
	s0 =	sld [smem:$0x3F9C]  }
0x30: {  	s3 =	sld [smem:$0x3F9F]  }
0x31: {  	[smem:$0x3FA8] =	sst s10  }
0x32: {  	s10 =	sld [smem:$0x3FA6];
	_ =	sdelay $0x3  }
0x33: {  	p0 =	seq.s32 s10, $0x1;
	s10 =	sld [smem:$0x3FA8];
	_ =	sdelay $0x3  }
0x34: {  	[smem:$0x3FA8] =	sst s10  }
0x35: {  	s10 =	sld [smem:$0x3FA7];
	_ =	sdelay $0x3  }
0x36: {  	p1 =	seq.s32 s10, $0x1;
	s10 =	sld [smem:$0x3FA8];
	_ =	sdelay $0x3  }
0x37: {  	[smem:$0x3FA8] =	sst s10  }
0x38: {  	s10 =	sld [smem:$0x3FA9]  }
0x39: {  	_ = 	snop;
	(pc) =	sbr.ind lr, $3  }
0x3a: {  	_ = 	snop  }
0x3b: {  	_ = 	snop  }
0x3c: {  	p2 =	seq.s32 s10, $0x1;
	s10 =	sld [smem:$0x3FA8]  }
0x3d: {  	_ =	shalt  }
0x3e: {  	_ =	shalt  }
0x3f: {  	_ =	shalt  }
0x40: {  	_ =	shalt  }
0x41: {  	_ =	shalt  }
0x42: {  	_ =	shalt  }
0x43: {  	_ =	shalt  }
0x44: {  	_ =	shalt  }
0x45: {  	_ =	shalt  }
0x46: {  	_ =	shalt  }
0x47: {  	_ =	shalt  }
0x48: {  	_ =	shalt  }
0x49: {  	_ =	shalt  }
0x4a: {  	_ =	shalt  }
0x4b: {  	_ =	shalt  }
0x4c: {  	_ =	shalt  }
0x4d: {  	_ =	shalt  }
0x4e: {  	_ =	shalt  }
0x4f: {  	_ =	shalt  }
0x50: {  	_ =	shalt  }
0x51: {  	_ =	shalt  }
0x52: {  	_ =	shalt  }
0x53: {  	_ =	shalt  }
0x54: {  	_ =	shalt  }
0x55: {  	_ =	shalt  }
0x56: {  	_ =	shalt  }
0x57: {  	_ =	shalt  }
0x58: {  	_ =	shalt  }
0x59: {  	_ =	shalt  }
0x5a: {  	_ =	shalt  }
0x5b: {  	_ =	shalt  }
0x5c: {  	_ =	shalt  }
0x5d: {  	_ =	shalt  }
0x5e: {  	_ =	shalt  }
0x5f: {  	_ =	shalt  }
0x60: {  	_ =	shalt  }
0x61: {  	_ =	shalt  }
0x62: {  	_ =	shalt  }
0x63: {  	_ =	shalt  }
0x64: {  	_ =	shalt  }
0x65: {  	_ =	shalt  }
0x66: {  	_ =	shalt  }
0x67: {  	_ =	shalt  }
0x68: {  	_ =	shalt  }
0x69: {  	_ =	shalt  }
0x6a: {  	_ =	shalt  }
0x6b: {  	_ =	shalt  }
0x6c: {  	_ =	shalt  }
0x6d: {  	_ =	shalt  }
0x6e: {  	_ =	shalt  }
0x6f: {  	_ =	shalt  }
0x70: {  	_ =	shalt  }
0x71: {  	_ =	shalt  }
0x72: {  	_ =	shalt  }
0x73: {  	_ =	shalt  }
0x74: {  	_ =	shalt  }
0x75: {  	_ =	shalt  }
0x76: {  	_ =	shalt  }
0x77: {  	_ =	shalt  }
0x78: {  	_ =	shalt  }
0x79: {  	_ =	shalt  }
0x7a: {  	_ =	shalt  }
0x7b: {  	_ =	shalt  }
0x7c: {  	_ =	shalt  }
0x7d: {  	_ =	shalt  }
0x7e: {  	_ =	shalt  }
0x7f: {  	_ =	shalt  }
0x80: {  	_ =	shalt  }
0x81: {  	_ =	shalt  }
0x82: {  	_ =	shalt  }
0x83: {  	_ =	shalt  }
0x84: {  	_ =	shalt  }
0x85: {  	_ =	shalt  }
0x86: {  	_ =	shalt  }
0x87: {  	_ =	shalt  }
.Lfunc_end0:
.L_simem_size_0:
called_computation.1_lowered:
.L_overlay_start_0:
0x88: {  	s2 =	sld [smem:$0x3FD9]  }
0x89: {  	s3 =	sld [smem:$0x3FFE];
	_ =	sdelay $0x1  }
0x8a: {  	s1 =	srdreg.scid  }
0x8b: {  	s0 =	sand.u32 $0x1, s1  }
0x8c: {  	s17 =	sshll.u32 s0, $0xA;
	s2 =	sadd.s32 s3, s2  }
0x8d: {  	s2 =	sadd.s32 s2, s17  }
0x8e: {  	[smem:$0x3FB4] =	sst s2  }
0x8f: {  	_ = 	snop  }
0x90: {  	s2 =	sld [smem:$0x3FD0];
	(tm) =	ssettm $0x1  }
0x91: {  	s18 =	sld [smem:$0x3FFB];
	_ =	sdelay $0x3  }
0x92: {  	_ =	strace s18  }
0x93: {  	s3 =	sld [smem:$0x3FFC];
	_ =	sdelay $0x3  }
0x94: {  	_ =	strace s3  }
0x95: {  	s3 =	sld [smem:$0x3FFD];
	_ =	sdelay $0x3  }
0x96: {  	_ =	strace s3  }
0x97: {  	_ =	strace $0x8FFFFFFF  }
0x98: {  	s19 =	sld [smem:$0x3FDB];
	_ =	sdelay $0x1  }
0x99: {  	s4 =	simm.s32 $_scs_section_size  }
0x9a: {  	s5 =	simm.s32 $_size__tile_overlayer_lowered;
	s6 =	simm.s32 $_tile_overlayer_lowered  }
0x9b: {  	s22 =	simm.s32 $0x1BFF;
	s21 =	sshll.u32 s6, $0x1;
	s3 =	sadd.s32 s4, s19  }
0x9c: {  	s7 =	simm.s32 $0x0;
	s20 =	sshll.u32 s5, $0x1;
	s5 =	sadd.s32 s21, s3  }
0x9d: {  	[timem:s7], [sflag:s22] =	dma.local [hbm:s5], s20  }
0x9e: {  	_ =	swait.ge [sflag:s22], s20  }
0x9f: {  	s4 =	ssub.s32 $0x0, s20;
	[sflag:s22] =	ssyncset.done $0x0  }
0xa0: {  	[sflag:s22] =	ssyncadd.s32 s4;
	_ =	sdelay $0x1  }
0xa1: {  	s23 =	simm.s32 $0x1B8B  }
0xa2: {  	_ =	swait.ge [sflag:s23], $0x1  }
0xa3: {  	[sflag:s23] =	ssyncset.done $0x0  }
0xa4: {  	s25 =	simm.s32 $0x1B8E;
	s24 =	sld [smem:$0x3FFE];
	[sflag:s23] =	ssyncadd.s32 $0xFFFFFFFF  }
0xa5: {  	s26 =	simm.s32 $execute0_lowered;
	[smem:$0x3FD2] =	sst s25  }
0xa6: {  	s5 =	sshll.u32 s26, $0x1;
	_ =	strace $0x80000046;
	[dreg:$0x1] =	wrdreg $0xFFFFFFFF  }
0xa7: {  	s28 =	simm.s32 $_size_execute0_lowered;
	s3 =	sadd.s32 s3, s5;
	[dreg:$0x0] =	wrdreg $0x0  }
0xa8: {  	s5 =	sshll.u32 s28, $0x1;
	[dreg:$0x2] =	wrdreg s3  }
0xa9: {  	[dreg:$0x3] =	wrdreg s5  }
0xaa: {  	[dreg:$0x4] =	wrdreg $0xC0  }
0xab: {  	_ =	task [dreg:s7], $0x5FFFF  }
0xac: {  	[dreg:$0x1] =	wrdreg $0xFFFFFFFF  }
0xad: {  	[dreg:$0x0] =	wrdreg $0x60  }
0xae: {  	[dreg:$0x2] =	wrdreg s24  }
0xaf: {  	[dreg:$0x3] =	wrdreg s2  }
0xb0: {  	[dreg:$0x4] =	wrdreg $0x9  }
0xb1: {  	_ =	task.clear_ibuf [dreg:s7], $0x5FFFF;
	_ =	strace $0x90000046  }
0xb2: {  	s29 =	simm.s32 $0x9;
	_ =	strace $0x80000048  }
0xb3: {  	_ =	swait.ge [sflag:s29], $0x1  }
0xb4: {  	[sflag:s29] =	ssyncadd.s32 $0xFFFFFFFF  }
0xb5: {  	_ =	strace $0x90000048  }
0xb6: {  	_ =	sfence  }
0xb7: {  	s30 =	sld [smem:$0x0];
	_ =	sdelay $0x2  }
0xb8: {  	s31 =	sshll.u32 s1, $0xD;
	s1 =	sshrl.u32 s1, $0x2  }
0xb9: {  	s3 =	sand.u32 $0x4000, s31;
	s1 =	sadd.s32 s1, s30  }
0xba: {  	s0 =	sor.u32 s3, s0;
	s1 =	sshll.u32 s1, $0x11  }
0xbb: {  	s0 =	sor.u32 s1, s0  }
0xbc: {  	s0 =	sadd.s32 $0x8F2B, s0  }
0xbd: {  	[sflag:s0] =	ssyncadd.remote.s32 $0x1  }
0xbe: {  	_ =	sfence.sel $0xFFFF  }
0xbf: {  	[dreg:$0x0] =	wrdreg $0xFFFFFFFF;
	(pc) =	sbr.abs _section_cstart, $3  }
0xc0: {  	[dreg:$0x1] =	wrdreg $0xFFFFFFFF  }
0xc1: {  	_ =	task.clear_ibuf [dreg:s7], $0x2FFFF;
	_ =	strace $0x9FFFFFFF  }
0xc2: {  	(tm) =	ssettm $0x7FFFFFFF  }
0xc3: {  	_ =	shalt  }
tec
execute0_lowered:
.L_overlay_start_1:
0x0: {  	(tag) =	ssettag $0x1  }
0x1: {  	s2 =	rddreg [dreg:$0x0]  }
0x2: {  	s13 =	rddreg [dreg:$0x1];
	s3 =	simm.s32 $0x0  }
0x3: {  	s0 =	srdreg.scid;
	[smem:$0x7FF] =	sst s3;
	s28 =	sadd.s32 $0xF45200, s2  }
0x4: {  	s4 =	sadd.s32 $0x43200, s2;
	_ =	strace $0x80000047;
	[dreg:$0x4] =	wrdreg s28  }
0x5: {  	s16 =	stileid.u32;
	s5 =	sadd.s32 $0x42E00, s2;
	[dreg:$0x5] =	wrdreg s4  }
0x6: {  	s0 =	sand.u32 $0x1, s0;
	s6 =	sadd.s32 $0x42A00, s2;
	[dreg:$0x6] =	wrdreg s5  }
0x7: {  	s1 =	sshll.u32 s16, $0x1;
	s7 =	sadd.s32 $0x42600, s2;
	[dreg:$0x7] =	wrdreg s6  }
0x8: {  	s8 =	sadd.s32 $0x42200, s2;
	s9 =	sadd.s32 $0x41E00, s2;
	[dreg:$0x8] =	wrdreg s7  }
0x9: {  	s10 =	sadd.s32 $0x43600, s2;
	s11 =	sadd.s32 $0x41A00, s2;
	[dreg:$0x9] =	wrdreg s8  }
0xa: {  	s22 =	smul.u32 $0x3E800, s16;
	s1 =	sor.u32 s0, s1;
	[dreg:$0xa] =	wrdreg s9  }
0xb: {  	s14 =	ssub.s32 $0x2, s0;
	[dreg:$0xb] =	wrdreg s10;
	s0 =	smul.u32 $0x1F400, s0  }
0xc: {  	s1 =	smul.u32 $0x1900, s1;
	s15 =	sshrl.u32 s14, $0x1;
	s13 =	sadd.s32 s22, s13  }
0xd: {  	[dreg:$0xc] =	wrdreg s11;
	s12 =	ssub.s32 s14, s15;
	s0 =	sadd.s32 s0, s13  }
0xe: {  	s1 =	sshrl.u32 s1, $0x3;
	s28 =	smax.u32 s12, $0x1;
	[dreg:$0x3] =	wrdreg s0  }
0xf: {  	s1 =	sadd.s32 s1, s2;
	s2 =	sadd.s32 $0x41600, s2;
	[dreg:$0x18] =	wrdreg s28  }
0x10: {  	[dreg:$0xd] =	wrdreg s2;
	s17 =	sadd.s32 $0x3B200, s1  }
0x11: {  	s18 =	sadd.s32 $0x34E00, s1;
	[dreg:$0xe] =	wrdreg s17  }
0x12: {  	s19 =	sadd.s32 $0x2EA00, s1;
	[dreg:$0xf] =	wrdreg s18  }
0x13: {  	s20 =	sadd.s32 $0x28600, s1;
	[dreg:$0x10] =	wrdreg s19  }
0x14: {  	s21 =	sadd.s32 $0x22200, s1;
	[dreg:$0x11] =	wrdreg s20  }
0x15: {  	s23 =	sadd.s32 $0x1BE00, s1;
	[dreg:$0x12] =	wrdreg s21  }
0x16: {  	s29 =	simm.s32 $0x10;
	s24 =	sadd.s32 $0x15A00, s1;
	[dreg:$0x13] =	wrdreg s23  }
0x17: {  	s30 =	simm.s32 $0xA0;
	s25 =	sadd.s32 $0xF600, s1;
	[dreg:$0x14] =	wrdreg s24  }
0x18: {  	s31 =	simm.s32 $0x15A00;
	s26 =	sadd.s32 $0x9200, s1;
	[dreg:$0x15] =	wrdreg s25  }
0x19: {  	s1 =	sadd.s32 $0x2E00, s1;
	s2 =	simm.s32 $0x0;
	[dreg:$0x16] =	wrdreg s26  }
0x1a: {  	[dreg:$0x17] =	wrdreg s1;
	s26 =	simm.s32 $0x80;
	s25 =	simm.s32 $0x19200  }
.LBB2_1:
0x1b: {  	[dreg:$0x19] =	wrdreg s2  }
0x1c: {  	s0 =	simm.s32 $0x0;
	s1 =	rddreg [dreg:$0xe];
	s13 =	simm.s32 $0x5  }
0x1d: {  	[tilespmem:s0], [sflag:$0x5] =	stream.linear.gather [hbm4b:s1+s0], $0x1900, $0x38;
	[tilespmem:$0x19A00] =	vst v63  }
0x1e: {  	_ =	swait.ge [sflag:s13], $0x1900  }
0x1f: {  	[sflag:s13] =	ssyncset.done $0x0  }
0x20: {  	s14 =	simm.s32 $0x1900;
	s22 =	rddreg [dreg:$0xf];
	[sflag:s13] =	ssyncadd.s32 $0xFFFFE700  }
0x21: {  	[tilespmem:s14], [sflag:$0x5] =	stream.linear.gather [hbm4b:s22+s0], $0x1900, $0x38;
	[tilespmem:$0x19A00] =	vst v63  }
0x22: {  	_ =	swait.ge [sflag:s13], $0x1900  }
0x23: {  	[sflag:s13] =	ssyncset.done $0x0  }
0x24: {  	s24 =	simm.s32 $0x3200;
	s23 =	rddreg [dreg:$0x10];
	[sflag:s13] =	ssyncadd.s32 $0xFFFFE700  }
0x25: {  	[tilespmem:s24], [sflag:$0x5] =	stream.linear.gather [hbm4b:s23+s0], $0x1900, $0x38;
	[tilespmem:$0x19A00] =	vst v63  }
0x26: {  	_ =	swait.ge [sflag:s13], $0x1900  }
0x27: {  	[sflag:s13] =	ssyncset.done $0x0  }
0x28: {  	s2 =	simm.s32 $0x4B00;
	s28 =	rddreg [dreg:$0x11];
	[sflag:s13] =	ssyncadd.s32 $0xFFFFE700  }
0x29: {  	[tilespmem:s2], [sflag:$0x5] =	stream.linear.gather [hbm4b:s28+s0], $0x1900, $0x38;
	[tilespmem:$0x19A00] =	vst v63  }
0x2a: {  	_ =	swait.ge [sflag:s13], $0x1900  }
0x2b: {  	[sflag:s13] =	ssyncset.done $0x0  }
0x2c: {  	s4 =	simm.s32 $0x6400;
	s3 =	rddreg [dreg:$0x12];
	[sflag:s13] =	ssyncadd.s32 $0xFFFFE700  }
0x2d: {  	[tilespmem:s4], [sflag:$0x5] =	stream.linear.gather [hbm4b:s3+s0], $0x1900, $0x38;
	[tilespmem:$0x19A00] =	vst v63  }
0x2e: {  	_ =	swait.ge [sflag:s13], $0x1900  }
0x2f: {  	[sflag:s13] =	ssyncset.done $0x0  }
0x30: {  	s6 =	simm.s32 $0x7D00;
	s5 =	rddreg [dreg:$0x13];
	[sflag:s13] =	ssyncadd.s32 $0xFFFFE700  }
0x31: {  	[tilespmem:s6], [sflag:$0x5] =	stream.linear.gather [hbm4b:s5+s0], $0x1900, $0x38;
	[tilespmem:$0x19A00] =	vst v63  }
0x32: {  	_ =	swait.ge [sflag:s13], $0x1900  }
0x33: {  	[sflag:s13] =	ssyncset.done $0x0  }
0x34: {  	s8 =	simm.s32 $0x9600;
	s7 =	rddreg [dreg:$0x14];
	[sflag:s13] =	ssyncadd.s32 $0xFFFFE700  }
0x35: {  	[tilespmem:s8], [sflag:$0x5] =	stream.linear.gather [hbm4b:s7+s0], $0x1900, $0x38;
	[tilespmem:$0x19A00] =	vst v63  }
0x36: {  	_ =	swait.ge [sflag:s13], $0x1900  }
0x37: {  	[sflag:s13] =	ssyncset.done $0x0  }
0x38: {  	s10 =	simm.s32 $0xAF00;
	s9 =	rddreg [dreg:$0x15];
	[sflag:s13] =	ssyncadd.s32 $0xFFFFE700  }
0x39: {  	[tilespmem:s10], [sflag:$0x5] =	stream.linear.gather [hbm4b:s9+s0], $0x1900, $0x38;
	[tilespmem:$0x19A00] =	vst v63  }
0x3a: {  	_ =	swait.ge [sflag:s13], $0x1900  }
0x3b: {  	[sflag:s13] =	ssyncset.done $0x0  }
0x3c: {  	s12 =	simm.s32 $0xC800;
	s11 =	rddreg [dreg:$0x16];
	[sflag:s13] =	ssyncadd.s32 $0xFFFFE700  }
0x3d: {  	[tilespmem:s12], [sflag:$0x5] =	stream.linear.gather [hbm4b:s11+s0], $0x1900, $0x38;
	[tilespmem:$0x19A00] =	vst v63  }
0x3e: {  	_ =	swait.ge [sflag:s13], $0x1900  }
0x3f: {  	[sflag:s13] =	ssyncset.done $0x0  }
0x40: {  	s15 =	simm.s32 $0xE100;
	s14 =	rddreg [dreg:$0x17];
	[sflag:s13] =	ssyncadd.s32 $0xFFFFE700  }
0x41: {  	[tilespmem:s15], [sflag:$0x5] =	stream.linear.gather [hbm4b:s14+s0], $0x1900, $0x38;
	[tilespmem:$0x19A00] =	vst v63  }
0x42: {  	p0 =	por $0x1, $0x1;
	_ =	swait.ge [sflag:s13], $0x1900  }
0x43: {  	p0 =	por p0, p0;
	[sflag:s13] =	ssyncset.done $0x0  }
0x44: {  	s0 =	simm.s32 @!p0 $0x3;
	[sflag:s13] =	ssyncadd.s32 $0xFFFFE700  }
0x45: {  	_ =	swait.ge @!p0 [sflag:s0], $0x5000  }
0x46: {  	s16 =	simm.s32 $0x0;
	s17 =	simm.s32 $0x1900;
	[sflag:s0] =	ssyncset.done @!p0 $0x0  }
0x47: {  	s13 =	simm.s32 $0xFA00;
	s3 =	rddreg [dreg:$0x4];
	[sflag:s0] =	ssyncadd.s32 @!p0 $0xFFFFB000  }
0x48: {  	[tilespmem:s13], [sflag:$0x1] =	stream.indirect.gather [hbm4b:s3+s26], $0x10, s16, s26, $0xb8;
	[tilespmem:$0x19A00] =	vst v63  }
0x49: {  	s18 =	simm.s32 $0x3200;
	s14 =	simm.s32 $0x10200;
	s4 =	rddreg [dreg:$0x5]  }
0x4a: {  	[tilespmem:s14], [sflag:$0x1] =	stream.indirect.gather [hbm4b:s4+s26], $0x10, s17, s26, $0xb8;
	[tilespmem:$0x19A00] =	vst v63  }
0x4b: {  	s19 =	simm.s32 $0x4B00;
	s15 =	simm.s32 $0x10A00;
	s5 =	rddreg [dreg:$0x6]  }
0x4c: {  	[tilespmem:s15], [sflag:$0x1] =	stream.indirect.gather [hbm4b:s5+s26], $0x10, s18, s26, $0xb8;
	[tilespmem:$0x19A00] =	vst v63  }
0x4d: {  	s20 =	simm.s32 $0x6400;
	s6 =	rddreg [dreg:$0x7];
	s16 =	simm.s32 $0x11200  }
0x4e: {  	[tilespmem:s16], [sflag:$0x1] =	stream.indirect.gather [hbm4b:s6+s26], $0x10, s19, s26, $0xb8;
	[tilespmem:$0x19A00] =	vst v63  }
0x4f: {  	s21 =	simm.s32 $0x7D00;
	s7 =	rddreg [dreg:$0x8];
	s17 =	simm.s32 $0x11A00  }
0x50: {  	[tilespmem:s17], [sflag:$0x1] =	stream.indirect.gather [hbm4b:s7+s26], $0x10, s20, s26, $0xb8;
	[tilespmem:$0x19A00] =	vst v63  }
0x51: {  	s1 =	simm.s32 @!p0 $0x4;
	s8 =	rddreg [dreg:$0x9];
	s18 =	simm.s32 $0x12200  }
0x52: {  	[tilespmem:s18], [sflag:$0x1] =	stream.indirect.gather [hbm4b:s8+s26], $0x10, s21, s26, $0xb8;
	[tilespmem:$0x19A00] =	vst v63  }
0x53: {  	s22 =	simm.s32 $0x9600;
	s9 =	rddreg [dreg:$0xa];
	s19 =	simm.s32 $0x12A00  }
0x54: {  	[tilespmem:s19], [sflag:$0x1] =	stream.indirect.gather [hbm4b:s9+s26], $0x10, s22, s26, $0xb8;
	[tilespmem:$0x19A00] =	vst v63  }
0x55: {  	s23 =	simm.s32 $0xAF00;
	s10 =	rddreg [dreg:$0xb];
	s20 =	simm.s32 $0x13200  }
0x56: {  	[tilespmem:s20], [sflag:$0x1] =	stream.indirect.gather [hbm4b:s10+s26], $0x10, s23, s26, $0xb8;
	[tilespmem:$0x19A00] =	vst v63  }
0x57: {  	s24 =	simm.s32 $0xC800;
	s2 =	simm.s32 $0x13A00;
	s11 =	rddreg [dreg:$0xc]  }
0x58: {  	[tilespmem:s2], [sflag:$0x1] =	stream.indirect.gather [hbm4b:s11+s26], $0x10, s24, s26, $0xb8;
	[tilespmem:$0x19A00] =	vst v63  }
0x59: {  	s28 =	simm.s32 $0xE100;
	s12 =	rddreg [dreg:$0xd];
	s21 =	simm.s32 $0x14200  }
0x5a: {  	[tilespmem:s21], [sflag:$0x1] =	stream.indirect.gather [hbm4b:s12+s26], $0x10, s28, s26, $0xb8;
	[tilespmem:$0x19A00] =	vst v63  }
0x5b: {  	_ =	swait.ge @!p0 [sflag:s1], $0x5000  }
0x5c: {  	[sflag:s1] =	ssyncset.done @!p0 $0x0  }
0x5d: {  	s22 =	simm.s32 $0x14A00;
	[sflag:s1] =	ssyncadd.s32 @!p0 $0xFFFFB000;
	s1 =	simm.s32 $0x80  }
0x5e: {  	[tilespmem:s22], [sflag:$0x2] =	stream.indirect.gather [hbm4b:s3+s26], $0x10, s1, s26, $0xb8;
	[tilespmem:$0x19A00] =	vst v63  }
0x5f: {  	s23 =	simm.s32 $0x15200;
	s3 =	simm.s32 $0x1980  }
0x60: {  	[tilespmem:s23], [sflag:$0x2] =	stream.indirect.gather [hbm4b:s4+s26], $0x10, s3, s26, $0xb8;
	[tilespmem:$0x19A00] =	vst v63  }
0x61: {  	s24 =	simm.s32 $0x15A00;
	s4 =	simm.s32 $0x3280  }
0x62: {  	[tilespmem:s24], [sflag:$0x2] =	stream.indirect.gather [hbm4b:s5+s26], $0x10, s4, s26, $0xb8;
	[tilespmem:$0x19A00] =	vst v63  }
0x63: {  	s3 =	simm.s32 $0x16200;
	s5 =	simm.s32 $0x4B80  }
0x64: {  	[tilespmem:s3], [sflag:$0x2] =	stream.indirect.gather [hbm4b:s6+s26], $0x10, s5, s26, $0xb8;
	[tilespmem:$0x19A00] =	vst v63  }
0x65: {  	s4 =	simm.s32 $0x16A00;
	s6 =	simm.s32 $0x6480  }
0x66: {  	[tilespmem:s4], [sflag:$0x2] =	stream.indirect.gather [hbm4b:s7+s26], $0x10, s6, s26, $0xb8;
	[tilespmem:$0x19A00] =	vst v63  }
0x67: {  	s5 =	simm.s32 $0x17200;
	s7 =	simm.s32 $0x7D80  }
0x68: {  	[tilespmem:s5], [sflag:$0x2] =	stream.indirect.gather [hbm4b:s8+s26], $0x10, s7, s26, $0xb8;
	[tilespmem:$0x19A00] =	vst v63  }
0x69: {  	s6 =	simm.s32 $0x17A00;
	s8 =	simm.s32 $0x9680  }
0x6a: {  	[tilespmem:s6], [sflag:$0x2] =	stream.indirect.gather [hbm4b:s9+s26], $0x10, s8, s26, $0xb8;
	[tilespmem:$0x19A00] =	vst v63  }
0x6b: {  	s7 =	simm.s32 $0x18200;
	s9 =	simm.s32 $0xAF80  }
0x6c: {  	[tilespmem:s7], [sflag:$0x2] =	stream.indirect.gather [hbm4b:s10+s26], $0x10, s9, s26, $0xb8;
	[tilespmem:$0x19A00] =	vst v63  }
0x6d: {  	s8 =	simm.s32 $0x18A00;
	s10 =	simm.s32 $0xC880  }
0x6e: {  	[tilespmem:s8], [sflag:$0x2] =	stream.indirect.gather [hbm4b:s11+s26], $0x10, s10, s26, $0xb8;
	[tilespmem:$0x19A00] =	vst v63  }
0x6f: {  	s11 =	simm.s32 $0xE180  }
0x70: {  	[tilespmem:s25], [sflag:$0x2] =	stream.indirect.gather [hbm4b:s12+s26], $0x10, s11, s26, $0xb8;
	[tilespmem:$0x19A00] =	vst v63  }
0x71: {  	s12 =	simm.s32 $0x1  }
0x72: {  	_ =	swait.ge [sflag:s12], $0x5000  }
0x73: {  	s25 =	rddreg [dreg:$0x3];
	[sflag:s12] =	ssyncset.done $0x0  }
0x74: {  	[sflag:s12] =	ssyncadd.s32 $0xFFFFB000;
	s0 =	sadd.s32 $0x0, s25  }
0x75: {  	[hbm4b:s0+s29] =	stream.strided.scatter [tilespmem:s13], [sflag:$0x3], $0x800, s30, s29, $0x38;
	[tilespmem:$0x19A00] =	vst v63  }
0x76: {  	s28 =	sadd.s32 $0x2, s0  }
0x77: {  	[hbm4b:s28+s29] =	stream.strided.scatter [tilespmem:s14], [sflag:$0x3], $0x800, s30, s29, $0x38;
	[tilespmem:$0x19A00] =	vst v63  }
0x78: {  	s9 =	sadd.s32 $0x4, s0  }
0x79: {  	[hbm4b:s9+s29] =	stream.strided.scatter [tilespmem:s15], [sflag:$0x3], $0x800, s30, s29, $0x38;
	[tilespmem:$0x19A00] =	vst v63  }
0x7a: {  	s10 =	sadd.s32 $0x6, s0  }
0x7b: {  	[hbm4b:s10+s29] =	stream.strided.scatter [tilespmem:s16], [sflag:$0x3], $0x800, s30, s29, $0x38;
	[tilespmem:$0x19A00] =	vst v63  }
0x7c: {  	s11 =	sadd.s32 $0x8, s0  }
0x7d: {  	[hbm4b:s11+s29] =	stream.strided.scatter [tilespmem:s17], [sflag:$0x3], $0x800, s30, s29, $0x38;
	[tilespmem:$0x19A00] =	vst v63  }
0x7e: {  	s12 =	sadd.s32 $0xA, s0  }
0x7f: {  	[hbm4b:s12+s29] =	stream.strided.scatter [tilespmem:s18], [sflag:$0x3], $0x800, s30, s29, $0x38;
	[tilespmem:$0x19A00] =	vst v63  }
0x80: {  	s13 =	sadd.s32 $0xC, s0  }
0x81: {  	[hbm4b:s13+s29] =	stream.strided.scatter [tilespmem:s19], [sflag:$0x3], $0x800, s30, s29, $0x38;
	[tilespmem:$0x19A00] =	vst v63  }
0x82: {  	s14 =	sadd.s32 $0xE, s0  }
0x83: {  	[hbm4b:s14+s29] =	stream.strided.scatter [tilespmem:s20], [sflag:$0x3], $0x800, s30, s29, $0x38;
	[tilespmem:$0x19A00] =	vst v63  }
0x84: {  	s15 =	sadd.s32 $0x10, s0  }
0x85: {  	[hbm4b:s15+s29] =	stream.strided.scatter [tilespmem:s2], [sflag:$0x3], $0x800, s30, s29, $0x38;
	[tilespmem:$0x19A00] =	vst v63  }
0x86: {  	s16 =	sadd.s32 $0x12, s0;
	s17 =	simm.s32 $0x2  }
0x87: {  	[hbm4b:s16+s29] =	stream.strided.scatter [tilespmem:s21], [sflag:$0x3], $0x800, s30, s29, $0x38;
	[tilespmem:$0x19A00] =	vst v63  }
0x88: {  	_ =	swait.ge [sflag:s17], $0x5000  }
0x89: {  	[sflag:s17] =	ssyncset.done $0x0  }
0x8a: {  	s18 =	sadd.s32 $0xA00, s0;
	[sflag:s17] =	ssyncadd.s32 $0xFFFFB000  }
0x8b: {  	[hbm4b:s18+s29] =	stream.strided.scatter [tilespmem:s22], [sflag:$0x4], $0x800, s30, s29, $0x38;
	[tilespmem:$0x19A00] =	vst v63  }
0x8c: {  	s19 =	sadd.s32 $0xA02, s0  }
0x8d: {  	[hbm4b:s19+s29] =	stream.strided.scatter [tilespmem:s23], [sflag:$0x4], $0x800, s30, s29, $0x38;
	[tilespmem:$0x19A00] =	vst v63  }
0x8e: {  	s20 =	sadd.s32 $0xA04, s0  }
0x8f: {  	[hbm4b:s20+s29] =	stream.strided.scatter [tilespmem:s24], [sflag:$0x4], $0x800, s30, s29, $0x38;
	[tilespmem:$0x19A00] =	vst v63  }
0x90: {  	s21 =	sadd.s32 $0xA06, s0  }
0x91: {  	[hbm4b:s21+s29] =	stream.strided.scatter [tilespmem:s3], [sflag:$0x4], $0x800, s30, s29, $0x38;
	[tilespmem:$0x19A00] =	vst v63  }
0x92: {  	s22 =	sadd.s32 $0xA08, s0  }
0x93: {  	[hbm4b:s22+s29] =	stream.strided.scatter [tilespmem:s4], [sflag:$0x4], $0x800, s30, s29, $0x38;
	[tilespmem:$0x19A00] =	vst v63  }
0x94: {  	p6 =	por $0x0, $0x0;
	s23 =	sadd.s32 $0xA0A, s0  }
0x95: {  	[hbm4b:s23+s29] =	stream.strided.scatter [tilespmem:s5], [sflag:$0x4], $0x800, s30, s29, $0x38;
	[tilespmem:$0x19A00] =	vst v63  }
0x96: {  	p0 =	por p6, p6;
	s24 =	sadd.s32 $0xA0C, s0  }
0x97: {  	[hbm4b:s24+s29] =	stream.strided.scatter [tilespmem:s6], [sflag:$0x4], $0x800, s30, s29, $0x38;
	[tilespmem:$0x19A00] =	vst v63  }
0x98: {  	s25 =	sadd.s32 $0xA0E, s0;
	s28 =	sadd.s32 $0xA10, s0;
	s9 =	simm.s32 $0x1400  }
0x99: {  	[hbm4b:s25+s29] =	stream.strided.scatter [tilespmem:s7], [sflag:$0x4], $0x800, s30, s29, $0x38;
	[tilespmem:$0x19A00] =	vst v63  }
0x9a: {  	s13 =	sadd.s32 $0xA12, s0;
	s0 =	simm.s32 $0xE280;
	s25 =	simm.s32 $0x2800  }
0x9b: {  	[hbm4b:s28+s29] =	stream.strided.scatter [tilespmem:s8], [sflag:$0x4], $0x800, s30, s29, $0x38;
	[tilespmem:$0x19A00] =	vst v63  }
.LBB2_2:
0x9c: {  	s1 =	simm.s32 $0x19200;
	s14 =	simm.s32 @!p0 $0x3  }
0x9d: {  	[hbm4b:s13+s29] =	stream.strided.scatter [tilespmem:s1], [sflag:$0x4], $0x800, s30, s29, $0x38;
	[tilespmem:$0x19A00] =	vst v63  }
0x9e: {  	_ =	swait.ge @!p0 [sflag:s14], $0x5000  }
0x9f: {  	s5 =	sadd.s32 $0xFFFF1E80, s0;
	s16 =	simm.s32 $0xFA00;
	[sflag:s14] =	ssyncset.done @!p0 $0x0  }
0xa0: {  	s6 =	sadd.s32 $0xFFFF3780, s0;
	s3 =	rddreg [dreg:$0x4];
	[sflag:s14] =	ssyncadd.s32 @!p0 $0xFFFFB000  }
0xa1: {  	[tilespmem:s16], [sflag:$0x1] =	stream.indirect.gather [hbm4b:s3+s26], $0x10, s5, s26, $0xb8;
	[tilespmem:$0x19A00] =	vst v63  }
0xa2: {  	s17 =	simm.s32 $0x10200;
	s7 =	sadd.s32 $0xFFFF5080, s0;
	s4 =	rddreg [dreg:$0x5]  }
0xa3: {  	[tilespmem:s17], [sflag:$0x1] =	stream.indirect.gather [hbm4b:s4+s26], $0x10, s6, s26, $0xb8;
	[tilespmem:$0x19A00] =	vst v63  }
0xa4: {  	s18 =	simm.s32 $0x10A00;
	s8 =	sadd.s32 $0xFFFF6980, s0;
	s5 =	rddreg [dreg:$0x6]  }
0xa5: {  	[tilespmem:s18], [sflag:$0x1] =	stream.indirect.gather [hbm4b:s5+s26], $0x10, s7, s26, $0xb8;
	[tilespmem:$0x19A00] =	vst v63  }
0xa6: {  	s19 =	simm.s32 $0x11200;
	s10 =	sadd.s32 $0xFFFF8280, s0;
	s6 =	rddreg [dreg:$0x7]  }
0xa7: {  	[tilespmem:s19], [sflag:$0x1] =	stream.indirect.gather [hbm4b:s6+s26], $0x10, s8, s26, $0xb8;
	[tilespmem:$0x19A00] =	vst v63  }
0xa8: {  	s20 =	simm.s32 $0x11A00;
	s11 =	sadd.s32 $0xFFFF9B80, s0;
	s7 =	rddreg [dreg:$0x8]  }
0xa9: {  	[tilespmem:s20], [sflag:$0x1] =	stream.indirect.gather [hbm4b:s7+s26], $0x10, s10, s26, $0xb8;
	[tilespmem:$0x19A00] =	vst v63  }
0xaa: {  	s21 =	simm.s32 $0x12200;
	s12 =	sadd.s32 $0xFFFFB480, s0;
	s8 =	rddreg [dreg:$0x9]  }
0xab: {  	[tilespmem:s21], [sflag:$0x1] =	stream.indirect.gather [hbm4b:s8+s26], $0x10, s11, s26, $0xb8;
	[tilespmem:$0x19A00] =	vst v63  }
0xac: {  	s22 =	simm.s32 $0x12A00;
	s15 =	sadd.s32 $0xFFFFCD80, s0;
	s10 =	rddreg [dreg:$0xa]  }
0xad: {  	[tilespmem:s22], [sflag:$0x1] =	stream.indirect.gather [hbm4b:s10+s26], $0x10, s12, s26, $0xb8;
	[tilespmem:$0x19A00] =	vst v63  }
0xae: {  	s23 =	simm.s32 $0x13200;
	s24 =	sadd.s32 $0xFFFFE680, s0;
	s11 =	rddreg [dreg:$0xb]  }
0xaf: {  	[tilespmem:s23], [sflag:$0x1] =	stream.indirect.gather [hbm4b:s11+s26], $0x10, s15, s26, $0xb8;
	[tilespmem:$0x19A00] =	vst v63  }
0xb0: {  	s2 =	simm.s32 $0x13A00;
	s28 =	sadd.s32 $0xFFFFFF80, s0;
	s12 =	rddreg [dreg:$0xc]  }
0xb1: {  	[tilespmem:s2], [sflag:$0x1] =	stream.indirect.gather [hbm4b:s12+s26], $0x10, s24, s26, $0xb8;
	[tilespmem:$0x19A00] =	vst v63  }
0xb2: {  	s1 =	rddreg [dreg:$0xd];
	s15 =	simm.s32 @!p0 $0x4;
	s24 =	simm.s32 $0x14200  }
0xb3: {  	[tilespmem:s24], [sflag:$0x1] =	stream.indirect.gather [hbm4b:s1+s26], $0x10, s28, s26, $0xb8;
	[tilespmem:$0x19A00] =	vst v63  }
0xb4: {  	_ =	swait.ge @!p0 [sflag:s15], $0x5000  }
0xb5: {  	[sflag:s15] =	ssyncset.done @!p0 $0x0  }
0xb6: {  	s28 =	sadd.s32 $0xFFFF1F00, s0;
	[sflag:s15] =	ssyncadd.s32 @!p0 $0xFFFFB000;
	s15 =	simm.s32 $0x14A00  }
0xb7: {  	[tilespmem:s15], [sflag:$0x2] =	stream.indirect.gather [hbm4b:s3+s26], $0x10, s28, s26, $0xb8;
	[tilespmem:$0x19A00] =	vst v63  }
0xb8: {  	s3 =	sadd.s32 $0xFFFF3800, s0;
	s28 =	simm.s32 $0x15200  }
0xb9: {  	[tilespmem:s28], [sflag:$0x2] =	stream.indirect.gather [hbm4b:s4+s26], $0x10, s3, s26, $0xb8;
	[tilespmem:$0x19A00] =	vst v63  }
0xba: {  	s4 =	sadd.s32 $0xFFFF5100, s0  }
0xbb: {  	[tilespmem:s31], [sflag:$0x2] =	stream.indirect.gather [hbm4b:s5+s26], $0x10, s4, s26, $0xb8;
	[tilespmem:$0x19A00] =	vst v63  }
0xbc: {  	s3 =	simm.s32 $0x16200;
	s5 =	sadd.s32 $0xFFFF6A00, s0  }
0xbd: {  	[tilespmem:s3], [sflag:$0x2] =	stream.indirect.gather [hbm4b:s6+s26], $0x10, s5, s26, $0xb8;
	[tilespmem:$0x19A00] =	vst v63  }
0xbe: {  	s4 =	simm.s32 $0x16A00;
	s6 =	sadd.s32 $0xFFFF8300, s0  }
0xbf: {  	[tilespmem:s4], [sflag:$0x2] =	stream.indirect.gather [hbm4b:s7+s26], $0x10, s6, s26, $0xb8;
	[tilespmem:$0x19A00] =	vst v63  }
0xc0: {  	s5 =	simm.s32 $0x17200;
	s7 =	sadd.s32 $0xFFFF9C00, s0  }
0xc1: {  	[tilespmem:s5], [sflag:$0x2] =	stream.indirect.gather [hbm4b:s8+s26], $0x10, s7, s26, $0xb8;
	[tilespmem:$0x19A00] =	vst v63  }
0xc2: {  	s6 =	simm.s32 $0x17A00;
	s8 =	sadd.s32 $0xFFFFB500, s0  }
0xc3: {  	[tilespmem:s6], [sflag:$0x2] =	stream.indirect.gather [hbm4b:s10+s26], $0x10, s8, s26, $0xb8;
	[tilespmem:$0x19A00] =	vst v63  }
0xc4: {  	s7 =	simm.s32 $0x18200;
	s10 =	sadd.s32 $0xFFFFCE00, s0  }
0xc5: {  	[tilespmem:s7], [sflag:$0x2] =	stream.indirect.gather [hbm4b:s11+s26], $0x10, s10, s26, $0xb8;
	[tilespmem:$0x19A00] =	vst v63  }
0xc6: {  	s8 =	simm.s32 $0x18A00;
	s11 =	sadd.s32 $0xFFFFE700, s0  }
0xc7: {  	[tilespmem:s8], [sflag:$0x2] =	stream.indirect.gather [hbm4b:s12+s26], $0x10, s11, s26, $0xb8;
	[tilespmem:$0x19A00] =	vst v63  }
0xc8: {  	s14 =	simm.s32 $0x19200;
	s11 =	simm.s32 $0x1  }
0xc9: {  	[tilespmem:s14], [sflag:$0x2] =	stream.indirect.gather [hbm4b:s1+s26], $0x10, s0, s26, $0xb8;
	[tilespmem:$0x19A00] =	vst v63  }
0xca: {  	_ =	swait.ge [sflag:s11], $0x5000  }
0xcb: {  	s12 =	rddreg [dreg:$0x3];
	[sflag:s11] =	ssyncset.done $0x0  }
0xcc: {  	[sflag:s11] =	ssyncadd.s32 $0xFFFFB000;
	s14 =	sadd.s32 s9, s12  }
0xcd: {  	[hbm4b:s14+s29] =	stream.strided.scatter [tilespmem:s16], [sflag:$0x3], $0x800, s30, s29, $0x38;
	[tilespmem:$0x19A00] =	vst v63  }
0xce: {  	s16 =	sadd.s32 $0x2, s14  }
0xcf: {  	[hbm4b:s16+s29] =	stream.strided.scatter [tilespmem:s17], [sflag:$0x3], $0x800, s30, s29, $0x38;
	[tilespmem:$0x19A00] =	vst v63  }
0xd0: {  	s17 =	sadd.s32 $0x4, s14  }
0xd1: {  	[hbm4b:s17+s29] =	stream.strided.scatter [tilespmem:s18], [sflag:$0x3], $0x800, s30, s29, $0x38;
	[tilespmem:$0x19A00] =	vst v63  }
0xd2: {  	s18 =	sadd.s32 $0x6, s14  }
0xd3: {  	[hbm4b:s18+s29] =	stream.strided.scatter [tilespmem:s19], [sflag:$0x3], $0x800, s30, s29, $0x38;
	[tilespmem:$0x19A00] =	vst v63  }
0xd4: {  	s19 =	sadd.s32 $0x8, s14  }
0xd5: {  	[hbm4b:s19+s29] =	stream.strided.scatter [tilespmem:s20], [sflag:$0x3], $0x800, s30, s29, $0x38;
	[tilespmem:$0x19A00] =	vst v63  }
0xd6: {  	s20 =	sadd.s32 $0xA, s14  }
0xd7: {  	[hbm4b:s20+s29] =	stream.strided.scatter [tilespmem:s21], [sflag:$0x3], $0x800, s30, s29, $0x38;
	[tilespmem:$0x19A00] =	vst v63  }
0xd8: {  	s1 =	sadd.s32 $0xC, s14  }
0xd9: {  	[hbm4b:s1+s29] =	stream.strided.scatter [tilespmem:s22], [sflag:$0x3], $0x800, s30, s29, $0x38;
	[tilespmem:$0x19A00] =	vst v63  }
0xda: {  	s10 =	sadd.s32 $0xE, s14  }
0xdb: {  	[hbm4b:s10+s29] =	stream.strided.scatter [tilespmem:s23], [sflag:$0x3], $0x800, s30, s29, $0x38;
	[tilespmem:$0x19A00] =	vst v63  }
0xdc: {  	s11 =	sadd.s32 $0x10, s14  }
0xdd: {  	[hbm4b:s11+s29] =	stream.strided.scatter [tilespmem:s2], [sflag:$0x3], $0x800, s30, s29, $0x38;
	[tilespmem:$0x19A00] =	vst v63  }
0xde: {  	s12 =	sadd.s32 $0x12, s14;
	s16 =	simm.s32 $0x2  }
0xdf: {  	[hbm4b:s12+s29] =	stream.strided.scatter [tilespmem:s24], [sflag:$0x3], $0x800, s30, s29, $0x38;
	[tilespmem:$0x19A00] =	vst v63  }
0xe0: {  	_ =	swait.ge [sflag:s16], $0x5000  }
0xe1: {  	[sflag:s16] =	ssyncset.done $0x0  }
0xe2: {  	s17 =	sadd.s32 $0xA00, s14;
	[sflag:s16] =	ssyncadd.s32 $0xFFFFB000  }
0xe3: {  	[hbm4b:s17+s29] =	stream.strided.scatter [tilespmem:s15], [sflag:$0x4], $0x800, s30, s29, $0x38;
	[tilespmem:$0x19A00] =	vst v63  }
0xe4: {  	s18 =	sadd.s32 $0xA02, s14  }
0xe5: {  	[hbm4b:s18+s29] =	stream.strided.scatter [tilespmem:s28], [sflag:$0x4], $0x800, s30, s29, $0x38;
	[tilespmem:$0x19A00] =	vst v63  }
0xe6: {  	s19 =	sadd.s32 $0xA04, s14  }
0xe7: {  	[hbm4b:s19+s29] =	stream.strided.scatter [tilespmem:s31], [sflag:$0x4], $0x800, s30, s29, $0x38;
	[tilespmem:$0x19A00] =	vst v63  }
0xe8: {  	s20 =	sadd.s32 $0xA06, s14  }
0xe9: {  	[hbm4b:s20+s29] =	stream.strided.scatter [tilespmem:s3], [sflag:$0x4], $0x800, s30, s29, $0x38;
	[tilespmem:$0x19A00] =	vst v63  }
0xea: {  	s21 =	sadd.s32 $0xA08, s14  }
0xeb: {  	[hbm4b:s21+s29] =	stream.strided.scatter [tilespmem:s4], [sflag:$0x4], $0x800, s30, s29, $0x38;
	[tilespmem:$0x19A00] =	vst v63  }
0xec: {  	s13 =	smov.u32 s25;
	s25 =	sadd.s32 $0x1400, s25;
	s22 =	sadd.s32 $0xA0A, s14  }
0xed: {  	[hbm4b:s22+s29] =	stream.strided.scatter [tilespmem:s5], [sflag:$0x4], $0x800, s30, s29, $0x38;
	[tilespmem:$0x19A00] =	vst v63  }
0xee: {  	p1 =	sne.s32 s25, $0x1F400;
	s23 =	sadd.s32 $0xA0C, s14  }
0xef: {  	[hbm4b:s23+s29] =	stream.strided.scatter [tilespmem:s6], [sflag:$0x4], $0x800, s30, s29, $0x38;
	[tilespmem:$0x19A00] =	vst v63  }
.Ltmp0:
0xf0: {  	p2 =	seq.s32 s13, $0x0;
	(pc) =	sbr.rel @p1 .LBB2_2-.Ltmp0, $4  }
0xf1: {  	p0 =	por p2, p2;
	s0 =	sadd.s32 $0x100, s0;
	s24 =	sadd.s32 $0xA0E, s14  }
0xf2: {  	[hbm4b:s24+s29] =	stream.strided.scatter [tilespmem:s7], [sflag:$0x4], $0x800, s30, s29, $0x38;
	[tilespmem:$0x19A00] =	vst v63  }
0xf3: {  	s9 =	smov.u32 s13;
	s13 =	sadd.s32 $0xA12, s14;
	s28 =	sadd.s32 $0xA10, s14  }
0xf4: {  	[hbm4b:s28+s29] =	stream.strided.scatter [tilespmem:s8], [sflag:$0x4], $0x800, s30, s29, $0x38;
	[tilespmem:$0x19A00] =	vst v63  }
0xf5: {  	s28 =	simm.s32 $0x19200  }
0xf6: {  	[hbm4b:s13+s29] =	stream.strided.scatter [tilespmem:s28], [sflag:$0x4], $0x800, s30, s29, $0x38;
	[tilespmem:$0x19A00] =	vst v63  }
0xf7: {  	s13 =	simm.s32 @!p0 $0x3  }
0xf8: {  	_ =	swait.ge @!p0 [sflag:s13], $0x5000  }
0xf9: {  	s15 =	sadd.s32 $0xFFFF1E80, s0;
	s14 =	simm.s32 $0xFA00;
	[sflag:s13] =	ssyncset.done @!p0 $0x0  }
0xfa: {  	s16 =	sadd.s32 $0xFFFF3780, s0;
	s3 =	rddreg [dreg:$0x4];
	[sflag:s13] =	ssyncadd.s32 @!p0 $0xFFFFB000  }
0xfb: {  	[tilespmem:s14], [sflag:$0x1] =	stream.indirect.gather [hbm4b:s3+s26], $0x10, s15, s26, $0xb8;
	[tilespmem:$0x19A00] =	vst v63  }
0xfc: {  	s17 =	sadd.s32 $0xFFFF5080, s0;
	s4 =	rddreg [dreg:$0x5];
	s15 =	simm.s32 $0x10200  }
0xfd: {  	[tilespmem:s15], [sflag:$0x1] =	stream.indirect.gather [hbm4b:s4+s26], $0x10, s16, s26, $0xb8;
	[tilespmem:$0x19A00] =	vst v63  }
0xfe: {  	s18 =	sadd.s32 $0xFFFF6980, s0;
	s5 =	rddreg [dreg:$0x6];
	s16 =	simm.s32 $0x10A00  }
0xff: {  	[tilespmem:s16], [sflag:$0x1] =	stream.indirect.gather [hbm4b:s5+s26], $0x10, s17, s26, $0xb8;
	[tilespmem:$0x19A00] =	vst v63  }
0x100: {  	s19 =	sadd.s32 $0xFFFF8280, s0;
	s6 =	rddreg [dreg:$0x7];
	s17 =	simm.s32 $0x11200  }
0x101: {  	[tilespmem:s17], [sflag:$0x1] =	stream.indirect.gather [hbm4b:s6+s26], $0x10, s18, s26, $0xb8;
	[tilespmem:$0x19A00] =	vst v63  }
0x102: {  	s20 =	sadd.s32 $0xFFFF9B80, s0;
	s7 =	rddreg [dreg:$0x8];
	s18 =	simm.s32 $0x11A00  }
0x103: {  	[tilespmem:s18], [sflag:$0x1] =	stream.indirect.gather [hbm4b:s7+s26], $0x10, s19, s26, $0xb8;
	[tilespmem:$0x19A00] =	vst v63  }
0x104: {  	s21 =	sadd.s32 $0xFFFFB480, s0;
	s8 =	rddreg [dreg:$0x9];
	s19 =	simm.s32 $0x12200  }
0x105: {  	[tilespmem:s19], [sflag:$0x1] =	stream.indirect.gather [hbm4b:s8+s26], $0x10, s20, s26, $0xb8;
	[tilespmem:$0x19A00] =	vst v63  }
0x106: {  	s22 =	sadd.s32 $0xFFFFCD80, s0;
	s10 =	rddreg [dreg:$0xa];
	s20 =	simm.s32 $0x12A00  }
0x107: {  	[tilespmem:s20], [sflag:$0x1] =	stream.indirect.gather [hbm4b:s10+s26], $0x10, s21, s26, $0xb8;
	[tilespmem:$0x19A00] =	vst v63  }
0x108: {  	s23 =	sadd.s32 $0xFFFFE680, s0;
	s11 =	rddreg [dreg:$0xb];
	s21 =	simm.s32 $0x13200  }
0x109: {  	[tilespmem:s21], [sflag:$0x1] =	stream.indirect.gather [hbm4b:s11+s26], $0x10, s22, s26, $0xb8;
	[tilespmem:$0x19A00] =	vst v63  }
0x10a: {  	s2 =	simm.s32 $0x13A00;
	s24 =	sadd.s32 $0xFFFFFF80, s0;
	s12 =	rddreg [dreg:$0xc]  }
0x10b: {  	[tilespmem:s2], [sflag:$0x1] =	stream.indirect.gather [hbm4b:s12+s26], $0x10, s23, s26, $0xb8;
	[tilespmem:$0x19A00] =	vst v63  }
0x10c: {  	s1 =	rddreg [dreg:$0xd];
	s13 =	simm.s32 @!p0 $0x4;
	s22 =	simm.s32 $0x14200  }
0x10d: {  	[tilespmem:s22], [sflag:$0x1] =	stream.indirect.gather [hbm4b:s1+s26], $0x10, s24, s26, $0xb8;
	[tilespmem:$0x19A00] =	vst v63  }
0x10e: {  	_ =	swait.ge @!p0 [sflag:s13], $0x5000  }
0x10f: {  	[sflag:s13] =	ssyncset.done @!p0 $0x0  }
0x110: {  	s25 =	sadd.s32 $0xFFFF1F00, s0;
	s23 =	simm.s32 $0x14A00;
	[sflag:s13] =	ssyncadd.s32 @!p0 $0xFFFFB000  }
0x111: {  	[tilespmem:s23], [sflag:$0x2] =	stream.indirect.gather [hbm4b:s3+s26], $0x10, s25, s26, $0xb8;
	[tilespmem:$0x19A00] =	vst v63  }
0x112: {  	s24 =	simm.s32 $0x15200;
	s3 =	sadd.s32 $0xFFFF3800, s0  }
0x113: {  	[tilespmem:s24], [sflag:$0x2] =	stream.indirect.gather [hbm4b:s4+s26], $0x10, s3, s26, $0xb8;
	[tilespmem:$0x19A00] =	vst v63  }
0x114: {  	s25 =	simm.s32 $0x15A00;
	s4 =	sadd.s32 $0xFFFF5100, s0  }
0x115: {  	[tilespmem:s25], [sflag:$0x2] =	stream.indirect.gather [hbm4b:s5+s26], $0x10, s4, s26, $0xb8;
	[tilespmem:$0x19A00] =	vst v63  }
0x116: {  	s3 =	simm.s32 $0x16200;
	s5 =	sadd.s32 $0xFFFF6A00, s0  }
0x117: {  	[tilespmem:s3], [sflag:$0x2] =	stream.indirect.gather [hbm4b:s6+s26], $0x10, s5, s26, $0xb8;
	[tilespmem:$0x19A00] =	vst v63  }
0x118: {  	s4 =	simm.s32 $0x16A00;
	s6 =	sadd.s32 $0xFFFF8300, s0  }
0x119: {  	[tilespmem:s4], [sflag:$0x2] =	stream.indirect.gather [hbm4b:s7+s26], $0x10, s6, s26, $0xb8;
	[tilespmem:$0x19A00] =	vst v63  }
0x11a: {  	s5 =	simm.s32 $0x17200;
	s7 =	sadd.s32 $0xFFFF9C00, s0  }
0x11b: {  	[tilespmem:s5], [sflag:$0x2] =	stream.indirect.gather [hbm4b:s8+s26], $0x10, s7, s26, $0xb8;
	[tilespmem:$0x19A00] =	vst v63  }
0x11c: {  	s6 =	simm.s32 $0x17A00;
	s8 =	sadd.s32 $0xFFFFB500, s0  }
0x11d: {  	[tilespmem:s6], [sflag:$0x2] =	stream.indirect.gather [hbm4b:s10+s26], $0x10, s8, s26, $0xb8;
	[tilespmem:$0x19A00] =	vst v63  }
0x11e: {  	s7 =	simm.s32 $0x18200;
	s10 =	sadd.s32 $0xFFFFCE00, s0  }
0x11f: {  	[tilespmem:s7], [sflag:$0x2] =	stream.indirect.gather [hbm4b:s11+s26], $0x10, s10, s26, $0xb8;
	[tilespmem:$0x19A00] =	vst v63  }
0x120: {  	s8 =	simm.s32 $0x18A00;
	s11 =	sadd.s32 $0xFFFFE700, s0  }
0x121: {  	[tilespmem:s8], [sflag:$0x2] =	stream.indirect.gather [hbm4b:s12+s26], $0x10, s11, s26, $0xb8;
	[tilespmem:$0x19A00] =	vst v63  }
0x122: {  	s12 =	simm.s32 $0x1  }
0x123: {  	[tilespmem:s28], [sflag:$0x2] =	stream.indirect.gather [hbm4b:s1+s26], $0x10, s0, s26, $0xb8;
	[tilespmem:$0x19A00] =	vst v63  }
0x124: {  	_ =	swait.ge [sflag:s12], $0x5000  }
0x125: {  	s13 =	rddreg [dreg:$0x3];
	[sflag:s12] =	ssyncset.done $0x0  }
0x126: {  	[sflag:s12] =	ssyncadd.s32 $0xFFFFB000;
	s0 =	sadd.s32 s9, s13  }
0x127: {  	[hbm4b:s0+s29] =	stream.strided.scatter [tilespmem:s14], [sflag:$0x3], $0x800, s30, s29, $0x38;
	[tilespmem:$0x19A00] =	vst v63  }
0x128: {  	s14 =	sadd.s32 $0x2, s0  }
0x129: {  	[hbm4b:s14+s29] =	stream.strided.scatter [tilespmem:s15], [sflag:$0x3], $0x800, s30, s29, $0x38;
	[tilespmem:$0x19A00] =	vst v63  }
0x12a: {  	s15 =	sadd.s32 $0x4, s0  }
0x12b: {  	[hbm4b:s15+s29] =	stream.strided.scatter [tilespmem:s16], [sflag:$0x3], $0x800, s30, s29, $0x38;
	[tilespmem:$0x19A00] =	vst v63  }
0x12c: {  	s16 =	sadd.s32 $0x6, s0  }
0x12d: {  	[hbm4b:s16+s29] =	stream.strided.scatter [tilespmem:s17], [sflag:$0x3], $0x800, s30, s29, $0x38;
	[tilespmem:$0x19A00] =	vst v63  }
0x12e: {  	s17 =	sadd.s32 $0x8, s0  }
0x12f: {  	[hbm4b:s17+s29] =	stream.strided.scatter [tilespmem:s18], [sflag:$0x3], $0x800, s30, s29, $0x38;
	[tilespmem:$0x19A00] =	vst v63  }
0x130: {  	s18 =	sadd.s32 $0xA, s0  }
0x131: {  	[hbm4b:s18+s29] =	stream.strided.scatter [tilespmem:s19], [sflag:$0x3], $0x800, s30, s29, $0x38;
	[tilespmem:$0x19A00] =	vst v63  }
0x132: {  	s19 =	sadd.s32 $0xC, s0  }
0x133: {  	[hbm4b:s19+s29] =	stream.strided.scatter [tilespmem:s20], [sflag:$0x3], $0x800, s30, s29, $0x38;
	[tilespmem:$0x19A00] =	vst v63  }
0x134: {  	s9 =	sadd.s32 $0xE, s0  }
0x135: {  	[hbm4b:s9+s29] =	stream.strided.scatter [tilespmem:s21], [sflag:$0x3], $0x800, s30, s29, $0x38;
	[tilespmem:$0x19A00] =	vst v63  }
0x136: {  	s10 =	sadd.s32 $0x10, s0  }
0x137: {  	[hbm4b:s10+s29] =	stream.strided.scatter [tilespmem:s2], [sflag:$0x3], $0x800, s30, s29, $0x38;
	[tilespmem:$0x19A00] =	vst v63  }
0x138: {  	s12 =	simm.s32 $0x2;
	s11 =	sadd.s32 $0x12, s0  }
0x139: {  	[hbm4b:s11+s29] =	stream.strided.scatter [tilespmem:s22], [sflag:$0x3], $0x800, s30, s29, $0x38;
	[tilespmem:$0x19A00] =	vst v63  }
0x13a: {  	_ =	swait.ge [sflag:s12], $0x5000  }
0x13b: {  	[sflag:s12] =	ssyncset.done $0x0  }
0x13c: {  	s13 =	sadd.s32 $0xA00, s0;
	[sflag:s12] =	ssyncadd.s32 $0xFFFFB000  }
0x13d: {  	[hbm4b:s13+s29] =	stream.strided.scatter [tilespmem:s23], [sflag:$0x4], $0x800, s30, s29, $0x38;
	[tilespmem:$0x19A00] =	vst v63  }
0x13e: {  	s14 =	sadd.s32 $0xA02, s0  }
0x13f: {  	[hbm4b:s14+s29] =	stream.strided.scatter [tilespmem:s24], [sflag:$0x4], $0x800, s30, s29, $0x38;
	[tilespmem:$0x19A00] =	vst v63  }
0x140: {  	s15 =	sadd.s32 $0xA04, s0  }
0x141: {  	[hbm4b:s15+s29] =	stream.strided.scatter [tilespmem:s25], [sflag:$0x4], $0x800, s30, s29, $0x38;
	[tilespmem:$0x19A00] =	vst v63  }
0x142: {  	s16 =	sadd.s32 $0xA06, s0  }
0x143: {  	[hbm4b:s16+s29] =	stream.strided.scatter [tilespmem:s3], [sflag:$0x4], $0x800, s30, s29, $0x38;
	[tilespmem:$0x19A00] =	vst v63  }
0x144: {  	s17 =	sadd.s32 $0xA08, s0  }
0x145: {  	[hbm4b:s17+s29] =	stream.strided.scatter [tilespmem:s4], [sflag:$0x4], $0x800, s30, s29, $0x38;
	[tilespmem:$0x19A00] =	vst v63  }
0x146: {  	s18 =	sadd.s32 $0xA0A, s0  }
0x147: {  	[hbm4b:s18+s29] =	stream.strided.scatter [tilespmem:s5], [sflag:$0x4], $0x800, s30, s29, $0x38;
	[tilespmem:$0x19A00] =	vst v63  }
0x148: {  	s19 =	sadd.s32 $0xA0C, s0  }
0x149: {  	[hbm4b:s19+s29] =	stream.strided.scatter [tilespmem:s6], [sflag:$0x4], $0x800, s30, s29, $0x38;
	[tilespmem:$0x19A00] =	vst v63  }
0x14a: {  	s20 =	sadd.s32 $0xA0E, s0  }
0x14b: {  	[hbm4b:s20+s29] =	stream.strided.scatter [tilespmem:s7], [sflag:$0x4], $0x800, s30, s29, $0x38;
	[tilespmem:$0x19A00] =	vst v63  }
0x14c: {  	s21 =	sadd.s32 $0xA10, s0  }
0x14d: {  	[hbm4b:s21+s29] =	stream.strided.scatter [tilespmem:s8], [sflag:$0x4], $0x800, s30, s29, $0x38;
	[tilespmem:$0x19A00] =	vst v63  }
0x14e: {  	s0 =	sadd.s32 $0xA12, s0;
	s22 =	simm.s32 $0x3  }
0x14f: {  	[hbm4b:s0+s29] =	stream.strided.scatter [tilespmem:s28], [sflag:$0x4], $0x800, s30, s29, $0x38;
	[tilespmem:$0x19A00] =	vst v63  }
0x150: {  	_ =	swait.ge [sflag:s22], $0x5000  }
0x151: {  	[sflag:s22] =	ssyncset.done $0x0  }
0x152: {  	s23 =	simm.s32 $0x4;
	[sflag:s22] =	ssyncadd.s32 $0xFFFFB000  }
0x153: {  	_ =	swait.ge [sflag:s23], $0x5000  }
0x154: {  	s24 =	rddreg [dreg:$0x19]  }
0x155: {  	s28 =	rddreg [dreg:$0x18];
	s2 =	sadd.s32 $0x1, s24  }
0x156: {  	p0 =	sne.s32 s2, s28  }
.Ltmp1:
0x157: {  	_ = 	snop;
	(pc) =	sbr.rel @p0 .LBB2_1-.Ltmp1, $3  }
0x158: {  	_ =	sdelay $0x1  }
0x159: {  	[sflag:s23] =	ssyncset.done $0x0  }
0x15a: {  	s25 =	simm.s32 $0x19200;
	[sflag:s23] =	ssyncadd.s32 $0xFFFFB000  }
0x15b: {  	_ =	sfence.sel $0x180000  }
0x15c: {  	[bflag:$0x0] =	sbarrier.arrive $0xFFFF  }
0x15d: {  	_ =	strace $0x90000047  }
0x15e: {  	s0 =	stileid.u32;
	[bflag:$0x2] =	sbarrier.arrive $0xFFFF  }
0x15f: {  	p0 =	sne.s32 s0, $0x0;
	s0 =	rddreg [dreg:$0x2]  }
0x160: {  	s0 =	sadd.s32 @!p0 $0x100000, s0  }
0x161: {  	[sflag:s0] =	ssyncadd.tile.s32 @!p0 $0x1;
	_ =	shalt  }
.Lfunc_end2:
_tile_overlayer_lowered:
.L_overlay_start_2:
0x162: {  	(tag) =	ssettag $0x2  }
0x163: {  	s0 =	rddreg [dreg:$0x0];
	s2 =	stileid.u32  }
0x164: {  	s1 =	rddreg [dreg:$0x1];
	p0 =	sne.s32 s2, $0x0  }
0x165: {  	s3 =	rddreg [dreg:$0x2];
	[bflag:$0x3] =	sbarrier.arrive $0xFFFF;
	s2 =	simm.s32 @!p0 $0x1C05  }
0x166: {  	[timem:s3], [sflag:s2] =	dma.local @!p0 [hbm:s0], s1  }
0x167: {  	s0 =	simm.s32 @!p0 $0x5  }
0x168: {  	_ =	swait.ge @!p0 [sflag:s0], s1  }
0x169: {  	s1 =	ssub.s32 @!p0 $0x0, s1;
	[sflag:s0] =	ssyncset.done @!p0 $0x0  }
0x16a: {  	[sflag:s0] =	ssyncadd.s32 @!p0 s1  }
0x16b: {  	[bflag:$0x3] =	sbarrier.arrive $0xFFFF  }
0x16c: {  	_ =	shalt  }

// kernel: sparse-core-data-format-call.cloned.1.call-start
scs
called_computation_lowered:
.L_overlay_start_0:
0x0: {  	s2 =	sld [smem:$0x3FD9]  }
0x1: {  	s3 =	sld [smem:$0x3FFE];
	_ =	sdelay $0x1  }
0x2: {  	s1 =	srdreg.scid  }
0x3: {  	s0 =	sand.u32 $0x1, s1  }
0x4: {  	s18 =	sshll.u32 s0, $0xA;
	s2 =	sadd.s32 s3, s2  }
0x5: {  	s2 =	sadd.s32 s2, s18  }
0x6: {  	[smem:$0x3FB4] =	sst s2  }
0x7: {  	_ = 	snop  }
0x8: {  	s2 =	sld [smem:$0x3FD0];
	(tm) =	ssettm $0x1  }
0x9: {  	s19 =	sld [smem:$0x3FFB];
	_ =	sdelay $0x3  }
0xa: {  	_ =	strace s19  }
0xb: {  	s3 =	sld [smem:$0x3FFC];
	_ =	sdelay $0x3  }
0xc: {  	_ =	strace s3  }
0xd: {  	s3 =	sld [smem:$0x3FFD];
	_ =	sdelay $0x3  }
0xe: {  	_ =	strace s3  }
0xf: {  	_ =	strace $0x8FFFFFFF  }
0x10: {  	s20 =	sld [smem:$0x3FDB];
	_ =	sdelay $0x1  }
0x11: {  	s4 =	simm.s32 $_scs_section_size  }
0x12: {  	s5 =	simm.s32 $_size__tile_overlayer_lowered;
	s6 =	simm.s32 $_tile_overlayer_lowered  }
0x13: {  	s23 =	simm.s32 $0x1BFF;
	s22 =	sshll.u32 s6, $0x1;
	s3 =	sadd.s32 s4, s20  }
0x14: {  	s7 =	simm.s32 $0x0;
	s21 =	sshll.u32 s5, $0x1;
	s5 =	sadd.s32 s22, s3  }
0x15: {  	[timem:s7], [sflag:s23] =	dma.local [hbm:s5], s21  }
0x16: {  	_ =	swait.ge [sflag:s23], s21  }
0x17: {  	s4 =	ssub.s32 $0x0, s21;
	[sflag:s23] =	ssyncset.done $0x0  }
0x18: {  	[sflag:s23] =	ssyncadd.s32 s4;
	_ =	sdelay $0x1  }
0x19: {  	s24 =	simm.s32 $0x1B8B  }
0x1a: {  	_ =	swait.ge [sflag:s24], $0x1  }
0x1b: {  	[sflag:s24] =	ssyncset.done $0x0  }
0x1c: {  	s26 =	simm.s32 $0x1B8E;
	s25 =	sld [smem:$0x3FFE];
	[sflag:s24] =	ssyncadd.s32 $0xFFFFFFFF  }
0x1d: {  	s27 =	simm.s32 $execute0_lowered;
	[smem:$0x3FD2] =	sst s26  }
0x1e: {  	s5 =	sshll.u32 s27, $0x1;
	_ =	strace $0x80000049;
	[dreg:$0x1] =	wrdreg $0xFFFFFFFF  }
0x1f: {  	s28 =	simm.s32 $_size_execute0_lowered;
	s3 =	sadd.s32 s3, s5;
	[dreg:$0x0] =	wrdreg $0x0  }
0x20: {  	s5 =	sshll.u32 s28, $0x1;
	[dreg:$0x2] =	wrdreg s3  }
0x21: {  	[dreg:$0x3] =	wrdreg s5  }
0x22: {  	[dreg:$0x4] =	wrdreg $0xC0  }
0x23: {  	_ =	task [dreg:s7], $0x5FFFF  }
0x24: {  	[dreg:$0x1] =	wrdreg $0xFFFFFFFF  }
0x25: {  	[dreg:$0x0] =	wrdreg $0x60  }
0x26: {  	[dreg:$0x2] =	wrdreg s25  }
0x27: {  	[dreg:$0x3] =	wrdreg s2  }
0x28: {  	[dreg:$0x4] =	wrdreg $0x9  }
0x29: {  	_ =	task.clear_ibuf [dreg:s7], $0x5FFFF;
	_ =	strace $0x90000049  }
0x2a: {  	s29 =	simm.s32 $0x9;
	_ =	strace $0x8000004B  }
0x2b: {  	_ =	swait.ge [sflag:s29], $0x1  }
0x2c: {  	[sflag:s29] =	ssyncadd.s32 $0xFFFFFFFF  }
0x2d: {  	_ =	strace $0x9000004B  }
0x2e: {  	_ =	sfence  }
0x2f: {  	s30 =	sld [smem:$0x0];
	_ =	sdelay $0x2  }
0x30: {  	s31 =	sshll.u32 s1, $0xD;
	s1 =	sshrl.u32 s1, $0x2  }
0x31: {  	s3 =	sand.u32 $0x4000, s31;
	s1 =	sadd.s32 s1, s30  }
0x32: {  	s0 =	sor.u32 s3, s0;
	s1 =	sshll.u32 s1, $0x11  }
0x33: {  	s0 =	sor.u32 s1, s0  }
0x34: {  	s0 =	sadd.s32 $0x8F2B, s0  }
0x35: {  	[sflag:s0] =	ssyncadd.remote.s32 $0x1  }
0x36: {  	_ =	sfence.sel $0xFFFF  }
0x37: {  	[dreg:$0x0] =	wrdreg $0xFFFFFFFF;
	(pc) =	sbr.abs _section_cstart, $3  }
0x38: {  	[dreg:$0x1] =	wrdreg $0xFFFFFFFF  }
0x39: {  	_ =	task.clear_ibuf [dreg:s7], $0x2FFFF;
	_ =	strace $0x9FFFFFFF  }
0x3a: {  	(tm) =	ssettm $0x7FFFFFFF  }
0x3b: {  	_ =	shalt  }
tec
execute0_lowered:
.L_overlay_start_1:
0x0: {  	(tag) =	ssettag $0x1  }
0x1: {  	s0 =	srdreg.scid;
	s6 =	rddreg [dreg:$0x0]  }
0x2: {  	s3 =	rddreg [dreg:$0x1];
	s1 =	sshll.u32 s0, $0x4  }
0x3: {  	s5 =	simm.s32 $0x1;
	s0 =	stileid.u32;
	s1 =	sand.u32 $0x10, s1  }
0x4: {  	s31 =	simm.s32 $0x2;
	s16 =	simm.s32 $0x0;
	s1 =	sor.u32 s0, s1  }
0x5: {  	s8 =	simm.s32 $0x8000;
	s18 =	simm.s32 $0x0;
	s2 =	sshll.u32 s1, $0x7  }
0x6: {  	s17 =	simm.s32 $0x0;
	s9 =	simm.s32 $0x0;
	s4 =	ssub.s32 $0x1000, s2  }
0x7: {  	s10 =	simm.s32 $0x0;
	s11 =	simm.s32 $0x0;
	s30 =	sand.u32 $0xF80, s4  }
0x8: {  	s12 =	simm.s32 $0x0;
	s13 =	simm.s32 $0x0;
	p0 =	sne.s32 s30, $0x0  }
.Ltmp0:
0x9: {  	s7 =	sshrl.u32 s4, $0xC;
	s5 =	simm.s32 @!p0 $0x0;
	(pc) =	sbr.rel .LBB1_1-.Ltmp0, $4  }
0xa: {  	s15 =	simm.s32 $0x0;
	s1 =	rddreg [dreg:$0x2];
	s5 =	sadd.s32 s5, s7  }
0xb: {  	_ =	strace $0x8000004A;
	s4 =	simm.s32 $0x1;
	s5 =	smul.u32 $0x64, s5  }
0xc: {  	s6 =	sadd.s32 $0x2E00, s6;
	s14 =	smov.u32 s2;
	[sflag:s4] =	ssyncpa.u1 $0x0  }
0xd: {  	[sflag:s31] =	ssyncpa.u1 $0x0;
	p0 =	por $0x0, $0x0;
	s7 =	sor.u32 $0x1, s5  }
.LBB1_4:
0xe: {  	s23 =	sshra.s32 s23, $0x2;
	s30 =	sshll.u32 s9, $0xC  }
0xf: {  	p1 =	sgt.s32 s10, $0x31;
	s24 =	smov.u32 s10;
	s25 =	sshra.s32 s10, $0x1F  }
0x10: {  	s26 =	sshll.u32 s11, $0x3;
	s28 =	smov.u32 s11;
	s29 =	sshra.s32 s11, $0x1F  }
0x11: {  	s22 =	sadd.s32 s23, s22;
	s24 =	simm.s32 @!p1 $0x31;
	s25 =	sand.u32 s25, s10  }
0x12: {  	s23 =	sand.u32 $0xFFFF8000, s30;
	s27 =	sand.u32 $0xFFFFFC00, s26;
	p1 =	sgt.s32 s9, $0x20  }
0x13: {  	s31 =	sand.u32 s29, s11;
	s29 =	sshll.u32 s9, $0x7;
	s30 =	sshra.s32 s9, $0x1F  }
0x14: {  	[tilespmem:s21+$0x2040 ss:$0x81] =	vst.msk $0xffff, v4;
	s24 =	ssub.s32 s24, s25;
	s23 =	sadd.s32 s27, s23;
	s27 =	smov.u32 s9  }
0x15: {  	[tilespmem:s21+$0x2850 ss:$0x81] =	vst.msk $0xffff, v3;
	s29 =	sand.u32 $0x380, s29;
	s25 =	sadd.s32 $0xFFFFFFCF, s24;
	s27 =	simm.s32 @!p1 $0x20  }
0x16: {  	v5 =	vld [tilespmem:s20+$0xFFFFFFD0];
	[tilespmem:s21+$0x3060 ss:$0x81] =	vst.msk $0xffff, v2;
	p1 =	sgt.s32 s11, $0xF80;
	s23 =	sshrl.u32 s23, $0xC;
	s24 =	ssub.s32 $0x32, s24  }
0x17: {  	v58 =	vld [tilespmem:s20+$0xFFFFFFE0];
	[tilespmem:s21+$0x0 ss:$0x81] =	vst.msk $0xffff, v1;
	s28 =	simm.s32 @!p1 $0xF80;
	p1 =	sgt.s32 s25, $0x0;
	s21 =	smulhi.u32 $0x199999A, s23  }
0x18: {  	v59 =	vld [tilespmem:s20+$0xFFFFFFF0];
	s25 =	ssub.s32 s28, s31;
	s28 =	sand.u32 s30, s9;
	s24 =	simm.s32 @p1 $0x0  }
0x19: {  	v60 =	vld [tilespmem:s20+$0x0];
	s27 =	ssub.s32 s27, s28;
	s31 =	sadd.s32 $0xFFFFF080, s25;
	s25 =	ssub.s32 $0x1000, s25  }
0x1a: {  	v61 =	vld [tilespmem:s20+$0x10];
	[tilespmem:s22+$0x3870 ss:$0x81] =	vst.msk $0xffff, v0;
	s21 =	smul.u32 $0xA0, s21;
	s28 =	sand.u32 $0x7, s11;
	p1 =	sgt.s32 s31, $0x7F  }
0x1b: {  	v62 =	vld [tilespmem:s20+$0x20];
	[tilespmem:s22+$0x810 ss:$0x81] =	vst.msk $0xffff, v5;
	s30 =	sadd.s32 $0xFFFFFFE0, s27;
	s31 =	sand.u32 $0x78, s11;
	s25 =	simm.s32 @p1 $0x0  }
0x1c: {  	v63 =	vld [tilespmem:s20+$0xFFFFFFC0];
	[tilespmem:s22+$0x1020 ss:$0x81] =	vst.msk $0xffff, v58;
	p1 =	sgt.s32 s30, $0x7F;
	s30 =	sand.u32 $0xC00, s26;
	s24 =	smul.u32 s25, s24  }
0x1d: {  	[tilespmem:s22+$0x1830 ss:$0x81] =	vst.msk $0xffff, v59;
	s26 =	ssub.s32 $0xA0, s27;
	s20 =	sor.u32 s31, s30;
	s31 =	smul.u32 $0x14000, s10  }
0x1e: {  	[tilespmem:s22+$0x2040 ss:$0x81] =	vst.msk $0xffff, v60;
	s21 =	ssub.s32 s23, s21;
	s26 =	simm.s32 @p1 $0x0;
	s20 =	sor.u32 s29, s20  }
0x1f: {  	[tilespmem:s22+$0x2850 ss:$0x81] =	vst.msk $0xffff, v61;
	s26 =	smul.u32 s26, s24;
	s20 =	sshrl.u32 s20, $0x3;
	s27 =	sadd.s32 s3, s31  }
0x20: {  	[tilespmem:s22+$0x3060 ss:$0x81] =	vst.msk $0xffff, v62;
	s21 =	sshll.u32 s21, $0x9;
	s29 =	sshll.u32 s28, $0x12;
	s20 =	sadd.s32 s20, s27  }
0x21: {  	[tilespmem:s22+$0x0 ss:$0x81] =	vst.msk $0xffff, v63;
	s31 =	sor.u32 $0x400, s29;
	s30 =	sand.u32 $0x3FFFFFFF, s26;
	s20 =	sadd.s32 s21, s20  }
0x22: {  	[hbm4b:s20+s31] =	stream.strided.scatter [tilespmem:s19], [sflag:$0x2], s30, s8, s31, $0x20;
	[tilespmem:$0x10100] =	vst v63  }
.LBB1_5:
0x23: {  	p1 =	slt.u32 s15, $0x2  }
0x24: {  	p2 =	sgt.s32 @!p1 s18, $0x31  }
0x25: {  	s19 =	smov.u32 s18;
	s20 =	sshra.s32 @!p1 s18, $0x1F;
	p2 =	por !p2, p1  }
0x26: {  	s18 =	sand.u32 @!p1 s20, s18;
	s19 =	simm.s32 @p2 $0x31  }
0x27: {  	p3 =	sgt.s32 @!p1 s16, $0x20;
	s18 =	ssub.s32 @!p1 s19, s18  }
0x28: {  	p4 =	sgt.s32 @!p1 s17, $0xF80;
	s21 =	sshra.s32 @!p1 s17, $0x1F;
	s19 =	sadd.s32 @!p1 $0xFFFFFFCF, s18  }
0x29: {  	s20 =	smov.u32 s16;
	p2 =	sgt.s32 @!p1 s19, $0x0;
	s19 =	sshra.s32 @!p1 s16, $0x1F  }
0x2a: {  	p4 =	por !p4, p1;
	s16 =	sand.u32 @!p1 s19, s16;
	s19 =	smov.u32 s17  }
0x2b: {  	p3 =	por !p3, p1;
	s17 =	sand.u32 @!p1 s21, s17;
	s19 =	simm.s32 @p4 $0xF80  }
0x2c: {  	s20 =	simm.s32 @p3 $0x20;
	s18 =	ssub.s32 @!p1 $0x32, s18;
	s17 =	ssub.s32 @!p1 s19, s17  }
0x2d: {  	p2 =	por !p2, p1;
	s16 =	ssub.s32 @!p1 s20, s16;
	s20 =	sadd.s32 @!p1 $0xFFFFF080, s17  }
0x2e: {  	s18 =	simm.s32 @!p2 $0x0;
	p3 =	sgt.s32 @!p1 s20, $0x7F  }
0x2f: {  	s19 =	sadd.s32 @!p1 $0xFFFFFFE0, s16;
	s17 =	ssub.s32 @!p1 $0x1000, s17;
	p3 =	por !p3, p1  }
0x30: {  	p2 =	sgt.s32 @!p1 s19, $0x7F;
	s19 =	sadd.s32 $0x80, s12;
	s17 =	simm.s32 @!p3 $0x0  }
0x31: {  	p3 =	sgt.s32 s19, $0x9F;
	s17 =	smul.u32 @!p1 s17, s18;
	s18 =	simm.s32 $0x1  }
0x32: {  	s16 =	ssub.s32 @!p1 $0xA0, s16;
	p2 =	por !p2, p1;
	s18 =	simm.s32 @!p3 $0x0  }
0x33: {  	s21 =	smov.u32 s14;
	s16 =	simm.s32 @!p2 $0x0;
	s20 =	sadd.s32 s18, s13  }
0x34: {  	s16 =	smul.u32 @!p1 s16, s17;
	s17 =	sadd.s32 $0x1000, s14;
	p2 =	sgt.s32 s20, $0x31  }
0x35: {  	p0 =	por !p0, !p0;
	s22 =	simm.s32 @!p1 $0x2;
	s21 =	smov.u32 @p2 s17  }
0x36: {  	s19 =	simm.s32 @p3 $0x0;
	s20 =	simm.s32 @p2 $0x0;
	p2 =	sgt.s32 s21, $0xFFF  }
0x37: {  	s18 =	smov.u32 s10;
	s21 =	smov.u32 @p2 s2;
	p2 =	sne.s32 s15, s7  }
.Ltmp1:
0x38: {  	s10 =	smov.u32 s13;
	s16 =	sand.u32 @!p1 $0x3FFFFFFF, s16;
	(pc) =	sbr.rel @!p2 .LBB1_6-.Ltmp1, $4  }
0x39: {  	s17 =	smov.u32 s11;
	s11 =	smov.u32 s14;
	_ =	swait.ge @!p1 [sflag:s22], s16  }
0x3a: {  	s23 =	ssub.s32 @!p1 $0x0, s16;
	s16 =	smov.u32 s9;
	s9 =	smov.u32 s12  }
0x3b: {  	s12 =	smov.u32 s19;
	s13 =	smov.u32 s20;
	[sflag:s22] =	ssyncset.done @!p1 $0x0  }
0x3c: {  	s15 =	sadd.s32 $0x1, s15;
	[sflag:s22] =	ssyncadd.s32 @!p1 s23;
	s14 =	smov.u32 s21  }
.LBB1_1:
0x3d: {  	p1 =	sge.u32 s15, s5  }
0x3e: {  	s19 =	sshll.u32 @!p1 s13, $0x8;
	s20 =	sshll.u32 @!p1 s12, $0x3  }
0x3f: {  	s21 =	sshll.u32 @!p1 s13, $0x7;
	s19 =	sand.u32 @!p1 $0xFFFFF800, s19;
	s20 =	sand.u32 @!p1 $0xFFFFFC00, s20  }
0x40: {  	s19 =	sadd.s32 @!p1 s19, s20;
	s20 =	sand.u32 @!p1 $0x300, s21  }
0x41: {  	s19 =	sor.u32 @!p1 s20, s19  }
0x42: {  	s19 =	sshrl.u32 @!p1 s19, $0x8  }
0x43: {  	s31 =	sadd.s32 $0xFFFFFFFF, s15;
	s20 =	smulhi.u32 @!p1 $0x4924925, s19  }
0x44: {  	s22 =	sxor.u32 @!p1 $0xFFFFFFFF, s15;
	s23 =	sand.u32 @!p1 $0x78, s12;
	s24 =	smul.u32 @!p1 $0x700, s14  }
0x45: {  	s22 =	sshll.u32 @!p1 s22, $0xE;
	s21 =	sand.u32 @!p1 $0x80, s21;
	s20 =	smul.u32 @!p1 $0x38, s20  }
0x46: {  	s22 =	sand.u32 @!p1 $0x4000, s22;
	s21 =	sor.u32 @!p1 s23, s21;
	s23 =	sand.u32 @!p1 $0x7, s12  }
0x47: {  	s19 =	ssub.s32 @!p1 s19, s20;
	s20 =	sshrl.u32 @!p1 s21, $0x3;
	s21 =	sadd.s32 @!p1 s6, s24  }
0x48: {  	s19 =	sshll.u32 @!p1 s19, $0x5;
	s20 =	sadd.s32 @!p1 s20, s21;
	s21 =	sshll.u32 @!p1 s23, $0x12  }
0x49: {  	s19 =	sadd.s32 @!p1 s19, s20;
	s20 =	sor.u32 @!p1 $0x80, s21;
	s21 =	simm.s32 @!p1 $0x3800  }
0x4a: {  	[tilespmem:s22], [sflag:$0x1] =	stream.strided.gather @!p1 [hbm4b:s19+s20], $0x4000, s21, s20, $0x38;
	[tilespmem:$0x10100] =	vst v63  }
0x4b: {  	p1 =	sge.u32 s31, s5  }
.Ltmp2:
0x4c: {  	_ = 	snop;
	(pc) =	sbr.rel @p1 .LBB1_5-.Ltmp2, $1  }
0x4d: {  	_ =	sdelay $0x3  }
0x4e: {  	s19 =	simm.s32 $0x1  }
0x4f: {  	_ =	swait.ge [sflag:s4], $0x4000;
	s19 =	simm.s32 @!p0 $0x0  }
0x50: {  	[sflag:s4] =	ssyncset.done $0x0;
	s20 =	sshll.u32 s19, $0xE  }
0x51: {  	[sflag:s4] =	ssyncadd.s32 $0xFFFFC000;
	s20 =	sor.u32 $0x40, s20  }
0x52: {  	s19 =	smul.u32 $0x10200, s19;
	v0 =	vld [tilespmem:s20+$0x30]  }
0x53: {  	v1 =	vld [tilespmem:s20+$0xFFFFFFD0]  }
0x54: {  	s19 =	sshrl.u32 s19, $0x2;
	v5 =	vld [tilespmem:s20+$0xFFFFFFE0]  }
0x55: {  	v6 =	vld [tilespmem:s20+$0xFFFFFFF0];
	s22 =	sor.u32 $0x8000, s19  }
0x56: {  	s31 =	sand.u32 $0x1, s15;
	v4 =	vld [tilespmem:s20+$0x0];
	s21 =	sadd.s32 $0x0, s22  }
0x57: {  	v3 =	vld [tilespmem:s20+$0x10];
	s19 =	smul.u32 $0x10200, s31;
	[tilespmem:s21+$0x3870 ss:$0x81] =	vst.msk $0xffff, v0  }
0x58: {  	v2 =	vld [tilespmem:s20+$0x20];
	[tilespmem:s21+$0x810 ss:$0x81] =	vst.msk $0xffff, v1  }
0x59: {  	s19 =	sshrl.u32 s19, $0x2;
	v1 =	vld [tilespmem:s20+$0xFFFFFFC0];
	[tilespmem:s21+$0x1020 ss:$0x81] =	vst.msk $0xffff, v5;
	s20 =	sadd.s32 $0x80, s20  }
0x5a: {  	s23 =	simm.s32 $0x4;
	s24 =	simm.s32 $0x8;
	s19 =	sor.u32 $0x8000, s19;
	[tilespmem:s21+$0x1830 ss:$0x81] =	vst.msk $0xffff, v6;
	v0 =	vld [tilespmem:s20+$0x30]  }
.LBB1_3:
0x5b: {  	p1 =	sne.s32 s24, $0x1FC;
	v5 =	vld [tilespmem:s20+$0xFFFFFFD0];
	[tilespmem:s21+$0x2040 ss:$0x81] =	vst.msk $0xffff, v4  }
0x5c: {  	v6 =	vld [tilespmem:s20+$0xFFFFFFE0];
	[tilespmem:s21+$0x2850 ss:$0x81] =	vst.msk $0xffff, v3  }
0x5d: {  	s25 =	sshra.s32 s23, $0x2;
	s23 =	smov.u32 s24;
	v7 =	vld [tilespmem:s20+$0xFFFFFFF0];
	[tilespmem:s21+$0x3060 ss:$0x81] =	vst.msk $0xffff, v2  }
.Ltmp3:
0x5e: {  	v4 =	vld [tilespmem:s20+$0x0];
	[tilespmem:s21+$0x0 ss:$0x81] =	vst.msk $0xffff, v1;
	s21 =	sadd.s32 s25, s22;
	(pc) =	sbr.rel @p1 .LBB1_3-.Ltmp3, $4  }
0x5f: {  	v3 =	vld [tilespmem:s20+$0x10];
	[tilespmem:s21+$0x3870 ss:$0x81] =	vst.msk $0xffff, v0  }
0x60: {  	[tilespmem:s21+$0x810 ss:$0x81] =	vst.msk $0xffff, v5;
	v2 =	vld [tilespmem:s20+$0x20]  }
0x61: {  	v1 =	vld [tilespmem:s20+$0xFFFFFFC0];
	[tilespmem:s21+$0x1020 ss:$0x81] =	vst.msk $0xffff, v6;
	s20 =	sadd.s32 $0x80, s20  }
0x62: {  	s24 =	sadd.s32 $0x4, s24;
	v0 =	vld [tilespmem:s20+$0x30];
	[tilespmem:s21+$0x1830 ss:$0x81] =	vst.msk $0xffff, v7  }
.Ltmp4:
0x63: {  	_ = 	snop;
	(pc) =	sbr.rel .LBB1_4-.Ltmp4, $1  }
0x64: {  	_ =	sdelay $0x3  }
.LBB1_6:
0x65: {  	_ =	sfence.sel $0x180000  }
0x66: {  	s2 =	simm.s32 $0x1;
	[bflag:$0x0] =	sbarrier.arrive $0xFFFF  }
0x67: {  	s31 =	simm.s32 $0x2;
	[sflag:s2] =	ssyncpa.u1 $0x1  }
0x68: {  	[sflag:s31] =	ssyncpa.u1 $0x1  }
0x69: {  	p0 =	sne.s32 s0, $0x0;
	_ =	strace $0x9000004A  }
0x6a: {  	s0 =	sadd.s32 @!p0 $0x100000, s1;
	[bflag:$0x2] =	sbarrier.arrive $0xFFFF  }
0x6b: {  	[sflag:s0] =	ssyncadd.tile.s32 @!p0 $0x1;
	_ =	shalt  }
.Lfunc_end1:
_tile_overlayer_lowered:
.L_overlay_start_2:
0x6c: {  	(tag) =	ssettag $0x2  }
0x6d: {  	s0 =	rddreg [dreg:$0x0];
	s2 =	stileid.u32  }
0x6e: {  	s1 =	rddreg [dreg:$0x1];
	p0 =	sne.s32 s2, $0x0  }
0x6f: {  	s3 =	rddreg [dreg:$0x2];
	[bflag:$0x3] =	sbarrier.arrive $0xFFFF;
	s2 =	simm.s32 @!p0 $0x1C01  }
0x70: {  	[timem:s3], [sflag:s2] =	dma.local @!p0 [hbm:s0], s1  }
0x71: {  	s0 =	simm.s32 @!p0 $0x1  }
0x72: {  	_ =	swait.ge @!p0 [sflag:s0], s1  }
0x73: {  	s1 =	ssub.s32 @!p0 $0x0, s1;
	[sflag:s0] =	ssyncset.done @!p0 $0x0  }
0x74: {  	[sflag:s0] =	ssyncadd.s32 @!p0 s1  }
0x75: {  	[bflag:$0x3] =	sbarrier.arrive $0xFFFF  }
0x76: {  	_ =	shalt  }

</sc_bundles>
